<compile_context>
chip_gen: v7x
topology: tpu7x:2x2x1
jax: 0.10.2.dev20260603
libtpu: 0.0.44.dev20260713+nightly
codegen_flags: <defaults>
</compile_context>

<pallas_src>
import functools

import jax
import jax.numpy as jnp
from jax import lax
from jax.experimental import pallas as pl
from jax.experimental.pallas import tpu as pltpu
from jax.experimental.pallas import tpu_sc as plsc
from jax._src.config import enable_x64 as _enable_x64

NC = 2
NS = 16
NW = NC * NS
CHUNK = 256
ZB = 128
ACC_N = 10240
RPS = ACC_N // NS

_SC_PARAMS = pltpu.CompilerParams(use_tc_tiling_on_sc=False)
_MESH = plsc.VectorSubcoreMesh(core_axis_name="c", subcore_axis_name="s",
                               num_cores=NC, num_subcores=NS)


def _zero_block(zbuf, d):
    zv = jnp.zeros((16,), jnp.float32)

    def body(r, _):
        for k in range(d // 16):
            zbuf[r, pl.ds(k * 16, 16)] = zv
        return 0

    lax.fori_loop(0, ZB, body, 0)


def _make_deg_kernel(cpw, chunk):

    @functools.partial(
        pl.kernel,
        out_type=jax.ShapeDtypeStruct((NC, ACC_N, 16), jnp.float32),
        mesh=_MESH,
        compiler_params=_SC_PARAMS,
        scratch_types=[
            pltpu.VMEM((cpw, chunk), jnp.int32),
            pltpu.VMEM((chunk, 16), jnp.float32),
            pltpu.VMEM((ZB, 16), jnp.float32),
            pltpu.VMEM_SHARED((ACC_N, 16), jnp.float32),
        ],
    )
    def deg_kernel(dst_hbm, out_hbm, idx_v, ones_v, zbuf, acc_sh):
        c = lax.axis_index("c")
        s = lax.axis_index("s")
        wid = c * NS + s

        _zero_block(zbuf, 16)
        ov = jnp.ones((16,), jnp.float32)

        def fill_ones(r, _):
            ones_v[r, pl.ds(0, 16)] = ov
            return 0

        lax.fori_loop(0, chunk, fill_ones, 0)

        for j in range(RPS // ZB):
            pltpu.sync_copy(zbuf,
                            acc_sh.at[pl.ds(s * RPS + j * ZB, ZB)])
        plsc.subcore_barrier()

        pltpu.sync_copy(dst_hbm.at[wid], idx_v)

        def chunk_body(i, _):
            pltpu.sync_copy(ones_v, acc_sh.at[idx_v.at[i]], add=True)
            return 0

        lax.fori_loop(0, cpw, chunk_body, 0)
        plsc.subcore_barrier()

        pltpu.sync_copy(acc_sh.at[pl.ds(s * RPS, RPS)],
                        out_hbm.at[c, pl.ds(s * RPS, RPS)])

    return deg_kernel


def _make_agg_kernel(cpw, d, chunk):

    @functools.partial(
        pl.kernel,
        out_type=jax.ShapeDtypeStruct((NC, ACC_N, d), jnp.float32),
        mesh=_MESH,
        compiler_params=_SC_PARAMS,
        scratch_types=[
            pltpu.VMEM((cpw, chunk), jnp.int32),
            pltpu.VMEM((cpw, chunk), jnp.int32),
            pltpu.VMEM((2, chunk, d), jnp.float32),
            pltpu.VMEM((ZB, d), jnp.float32),
            pltpu.VMEM_SHARED((ACC_N, d), jnp.float32),
            pltpu.SemaphoreType.DMA,
            pltpu.SemaphoreType.DMA,
        ],
    )
    def agg_kernel(table_hbm, src_hbm, dst_hbm, out_hbm,
                   src_v, dst_v, rows_v, zbuf, acc_sh, sem0, sem1):
        c = lax.axis_index("c")
        s = lax.axis_index("s")
        wid = c * NS + s

        _zero_block(zbuf, d)
        for j in range(RPS // ZB):
            pltpu.sync_copy(zbuf,
                            acc_sh.at[pl.ds(s * RPS + j * ZB, ZB)])
        plsc.subcore_barrier()

        pltpu.sync_copy(src_hbm.at[wid], src_v)
        pltpu.sync_copy(dst_hbm.at[wid], dst_v)

        sems = (sem0, sem1)
        bi = (0, 1)
        pltpu.async_copy(table_hbm.at[src_v.at[0]], rows_v.at[0], sem0)

        def outer(g, _):
            i0 = g * 2
            for b in range(2):
                i = i0 + b
                nxt = i + 1

                @pl.when(nxt < cpw)
                def _():
                    pltpu.async_copy(table_hbm.at[src_v.at[nxt]],
                                     rows_v.at[bi[1 - b]], sems[1 - b])

                pltpu.make_async_copy(table_hbm.at[src_v.at[i]],
                                      rows_v.at[bi[b]], sems[b]).wait()
                pltpu.sync_copy(rows_v.at[bi[b]], acc_sh.at[dst_v.at[i]],
                                add=True)
            return 0

        lax.fori_loop(0, cpw // 2, outer, 0)
        plsc.subcore_barrier()

        pltpu.sync_copy(acc_sh.at[pl.ds(s * RPS, RPS)],
                        out_hbm.at[c, pl.ds(s * RPS, RPS)])

    return agg_kernel


def _tc_scale_matmul(x_ref, w1_ref, degp_ref, u_ref, dis_ref):
    n = x_ref.shape[0]
    deg = degp_ref[0, :n] + degp_ref[1, :n] + 1.0
    dis = lax.rsqrt(deg)
    h = jnp.dot(x_ref[...], w1_ref[...], preferred_element_type=jnp.float32)
    u_ref[...] = dis[:, 0:1] * h
    dis_ref[...] = dis


def _tc_mid(aggp_ref, u_ref, dis_ref, b1_ref, w2_ref, v_ref):
    n = u_ref.shape[0]
    dis = dis_ref[:, 0:1]
    y1 = jax.nn.relu(dis * (aggp_ref[0, :n] + aggp_ref[1, :n] + u_ref[...])
                     + b1_ref[...])
    h2 = jnp.dot(y1, w2_ref[...], preferred_element_type=jnp.float32)
    v_ref[...] = dis * h2


def _tc_out(aggp_ref, v_ref, dis_ref, b2_ref, o_ref):
    n = v_ref.shape[0]
    dis = dis_ref[:, 0:1]
    o_ref[...] = (dis * (aggp_ref[0, :n] + aggp_ref[1, :n] + v_ref[...])
                  + b2_ref[...])


def kernel(x, edge_index, W1, b1, W2, b2):
    with _enable_x64(False):
        return _kernel_impl(x, edge_index, W1, b1, W2, b2)


def _kernel_impl(x, edge_index, W1, b1, W2, b2):
    n = x.shape[0]
    e = edge_index.shape[1]
    h_dim = W1.shape[1]
    c_dim = W2.shape[1]
    d2 = 16

    ch_w = CHUNK
    ch_n = 4 * CHUNK
    quant = NW * ch_n * 2
    e_pad = -(-e // quant) * quant
    cpw_w = e_pad // (NW * ch_w)
    cpw_n = e_pad // (NW * ch_n)
    pad = e_pad - e
    src = edge_index[0].astype(jnp.int32)
    dst = edge_index[1].astype(jnp.int32)
    if pad:
        fill = jnp.arange(pad, dtype=jnp.int32)
        src = jnp.concatenate([src, fill % n])
        dst = jnp.concatenate([dst, n + fill % (ACC_N - n)])
    src3w = src.reshape(NW, cpw_w, ch_w)
    dst3w = dst.reshape(NW, cpw_w, ch_w)
    src3n = src.reshape(NW, cpw_n, ch_n)
    dst3n = dst.reshape(NW, cpw_n, ch_n)

    W2p = jnp.zeros((h_dim, d2), jnp.float32).at[:, :c_dim].set(
        W2.astype(jnp.float32))
    b1r = b1.astype(jnp.float32).reshape(1, h_dim)
    b2r = jnp.zeros((1, d2), jnp.float32).at[0, :c_dim].set(
        b2.astype(jnp.float32))

    deg_parts = _make_deg_kernel(cpw_n, ch_n)(dst3n)

    u, dis = pl.pallas_call(
        _tc_scale_matmul,
        out_shape=(jax.ShapeDtypeStruct((n, h_dim), jnp.float32),
                   jax.ShapeDtypeStruct((n, 16), jnp.float32)),
    )(x.astype(jnp.float32), W1.astype(jnp.float32), deg_parts)

    agg1 = _make_agg_kernel(cpw_w, h_dim, ch_w)(u, src3w, dst3w)

    v = pl.pallas_call(
        _tc_mid,
        out_shape=jax.ShapeDtypeStruct((n, d2), jnp.float32),
    )(agg1, u, dis, b1r, W2p)

    agg2 = _make_agg_kernel(cpw_n, d2, ch_n)(v, src3n, dst3n)

    out = pl.pallas_call(
        _tc_out,
        out_shape=jax.ShapeDtypeStruct((n, d2), jnp.float32),
    )(agg2, v, dis, b2r)

    return out[:, :c_dim]

# --- scband reference (transcript-rebuilt; emitter-appended) ---
"""Pipeline reference for scband-multi-task-gcn-37623913513359 (READ-ONLY COPY).

The authoritative reference and input builder live on the scoring server;
editing this copy changes nothing except your own understanding.
"""

import jax, jax.numpy as jnp
import numpy as np
jax.config.update("jax_enable_x64", True)

N = 10000
E = 320000
F_IN = 128
H = 64
C = 10


def setup_inputs(seed: int = 0) -> dict:
    key = jax.random.key(seed)
    k1, k2, k3, k4, k5, k6 = jax.random.split(key, 6)
    x = jax.random.normal(k1, (N, F_IN), dtype=jnp.float32)
    edge_index = jax.random.randint(k2, (2, E), 0, N, dtype=jnp.int64)
    W1 = jax.random.normal(k3, (F_IN, H), dtype=jnp.float32) * 0.05
    b1 = jnp.zeros((H,), dtype=jnp.float32)
    W2 = jax.random.normal(k4, (H, C), dtype=jnp.float32) * 0.05
    b2 = jnp.zeros((C,), dtype=jnp.float32)
    return {"x": x, "edge_index": edge_index, "W1": W1, "b1": b1, "W2": W2, "b2": b2}


def _gcn_conv(x, src, dst, W, b):
    n = x.shape[0]
    h = x @ W
    ones = jnp.ones(src.shape[0], dtype=h.dtype)
    deg = jnp.zeros((n,), dtype=h.dtype).at[dst].add(ones)
    d_inv_sqrt = jnp.where(deg > 0, deg ** -0.5, 0.0)
    norm = d_inv_sqrt[src] * d_inv_sqrt[dst]
    msg = h[src] * norm[:, None]
    out = jnp.zeros((n, h.shape[1]), dtype=h.dtype).at[dst].add(msg)
    return out + b


def reference(x, edge_index, W1, b1, W2, b2):
    n = x.shape[0]
    loop = jnp.arange(n, dtype=edge_index.dtype)
    src = jnp.concatenate([edge_index[0], loop])
    dst = jnp.concatenate([edge_index[1], loop])
    h = jax.nn.relu(_gcn_conv(x, src, dst, W1, b1))
    # dropout is identity in eval mode (training=False); aux_tasks is empty
    main_out = _gcn_conv(h, src, dst, W2, b2)
    return main_out

if __name__ == "__main__":
    import jax
    _d = setup_inputs()
    print(jax.jit(kernel)(*tuple(_d.values())))

</pallas_src>

<mosaic_0001>
#map = affine_map<(d0, d1) -> (0, 0, 0)>
module attributes {stable_mosaic.version = 14 : i64} {
  func.func @deg_kernel(%arg0: i32, %arg1: i32, %arg2: memref<32x10x1024xi32, #tpu.memory_space<hbm>>, %arg3: memref<2x10240x16xf32, #tpu.memory_space<hbm>>, %arg4: memref<10x1024xi32, #tpu.memory_space<vmem>>, %arg5: memref<1024x16xf32, #tpu.memory_space<vmem>>, %arg6: memref<128x16xf32, #tpu.memory_space<vmem>>, %arg7: memref<10240x16xf32, #tpu.memory_space<vmem_shared>>) attributes {dimension_semantics = [#tpu.dimension_semantics<core_parallel>, #tpu.dimension_semantics<subcore_parallel>], iteration_bounds = array<i64: 2, 16>, scalar_prefetch = 0 : i64, scratch_operands = 4 : i64, tpu.core_type = #tpu.core_type<sc_vector_subcore>, window_params = [{transform_indices = #map}, {transform_indices = #map}]} {
    %mul3A = arith.constant 16 : i32
    %mul3A_0 = arith.muli %arg0, %mul3A : i32
    %add3A = arith.addi %mul3A_0, %arg1 : i32
    %broadcast_in_dim3A = arith.constant 0.000000e+00 : f32
    %broadcast_in_dim3A_1 = vector.broadcast %broadcast_in_dim3A : f32 to vector<16xf32>
    %scan3A = arith.constant 0 : i32
    %scan3A_2 = arith.constant 0 : i32
    %scan3A_3 = arith.constant 128 : i32
    %scan3A_4 = arith.addi %scan3A_2, %scan3A_3 : i32
    %scan3A_5 = arith.constant 1 : i32
    %scan3A_6 = scf.for %scan3A_49 = %scan3A_2 to %scan3A_4 step %scan3A_5 iter_args(%scan3A_50 = %scan3A) -> (i32)  : i32 {
      %swap3A = arith.index_cast %scan3A_49 : i32 to index
      %swap3A_51 = arith.constant 0 : index
      %swap3A_52 = tpu.vector_load %arg6[%swap3A, %swap3A_51] {strides = array<i32>} : memref<128x16xf32, #tpu.memory_space<vmem>>, vector<1x16xf32>,
      %swap3A_53 = vector.shape_cast %swap3A_52 : vector<1x16xf32> to vector<16xf32>
      %swap3A_54 = vector.shape_cast %broadcast_in_dim3A_1 : vector<16xf32> to vector<1x16xf32>
      tpu.vector_store %arg6[%swap3A, %swap3A_51], %swap3A_54 {strides = array<i32>} : memref<128x16xf32, #tpu.memory_space<vmem>>, vector<1x16xf32>,
      %scan3A_55 = arith.constant 0 : i32
      scf.yield %scan3A_55 : i32
    }
    %scan3A_7 = arith.constant 128 : i32
    %broadcast_in_dim3A_8 = arith.constant 1.000000e+00 : f32
    %broadcast_in_dim3A_9 = vector.broadcast %broadcast_in_dim3A_8 : f32 to vector<16xf32>
    %scan3A_10 = arith.constant 0 : i32
    %scan3A_11 = arith.constant 0 : i32
    %scan3A_12 = arith.constant 1024 : i32
    %scan3A_13 = arith.addi %scan3A_11, %scan3A_12 : i32
    %scan3A_14 = arith.constant 1 : i32
    %scan3A_15 = scf.for %scan3A_49 = %scan3A_11 to %scan3A_13 step %scan3A_14 iter_args(%scan3A_50 = %scan3A_10) -> (i32)  : i32 {
      %swap3A = arith.index_cast %scan3A_49 : i32 to index
      %swap3A_51 = arith.constant 0 : index
      %swap3A_52 = tpu.vector_load %arg5[%swap3A, %swap3A_51] {strides = array<i32>} : memref<1024x16xf32, #tpu.memory_space<vmem>>, vector<1x16xf32>,
      %swap3A_53 = vector.shape_cast %swap3A_52 : vector<1x16xf32> to vector<16xf32>
      %swap3A_54 = vector.shape_cast %broadcast_in_dim3A_9 : vector<16xf32> to vector<1x16xf32>
      tpu.vector_store %arg5[%swap3A, %swap3A_51], %swap3A_54 {strides = array<i32>} : memref<1024x16xf32, #tpu.memory_space<vmem>>, vector<1x16xf32>,
      %scan3A_55 = arith.constant 0 : i32
      scf.yield %scan3A_55 : i32
    }
    %scan3A_16 = arith.constant 1024 : i32
    %mul3A_17 = arith.constant 640 : i32
    %mul3A_18 = arith.muli %arg1, %mul3A_17 : i32
    %add3A_19 = arith.constant 0 : i32
    %add3A_20 = arith.addi %mul3A_18, %add3A_19 : i32
    "tpu.region"() ({
      %run_scoped3A = tpu.sem_alloc : memref<!tpu.dma_semaphore, #tpu.memory_space<semaphore_mem>>
      %dma_start3A = arith.constant 0 : i32
      %dma_start3A_49 = tpu.memref_slice %arg7[%add3A_20, %dma_start3A] : memref<10240x16xf32, #tpu.memory_space<vmem_shared>> -> memref<128x16xf32, #tpu.memory_space<vmem_shared>>
      %dma_start3A_50 = arith.constant 0 : i32
      %dma_start3A_51 = tpu.memref_slice %arg7[%add3A_20, %dma_start3A_50] : memref<10240x16xf32, #tpu.memory_space<vmem_shared>> -> memref<128x16xf32, #tpu.memory_space<vmem_shared>>
      tpu.enqueue_dma source(%arg6 : memref<128x16xf32, #tpu.memory_space<vmem>>) target(%dma_start3A_51 : memref<128x16xf32, #tpu.memory_space<vmem_shared>>) target_semaphore(%run_scoped3A : memref<!tpu.dma_semaphore, #tpu.memory_space<semaphore_mem>>)
      %dma_wait3A = arith.constant 0 : i32
      %dma_wait3A_52 = tpu.memref_slice %arg7[%add3A_20, %dma_wait3A] : memref<10240x16xf32, #tpu.memory_space<vmem_shared>> -> memref<128x16xf32, #tpu.memory_space<vmem_shared>>
      %dma_wait3A_53 = arith.constant 0 : i32
      %dma_wait3A_54 = tpu.memref_slice %arg7[%add3A_20, %dma_wait3A_53] : memref<10240x16xf32, #tpu.memory_space<vmem_shared>> -> memref<128x16xf32, #tpu.memory_space<vmem_shared>>
      tpu.wait_dma2 semaphore(%run_scoped3A : memref<!tpu.dma_semaphore, #tpu.memory_space<semaphore_mem>>) src(%arg6 : memref<128x16xf32, #tpu.memory_space<vmem>>) dst(%dma_wait3A_54 : memref<128x16xf32, #tpu.memory_space<vmem_shared>>)
      tpu.yield
    }) : () -> ()
    %mul3A_21 = arith.constant 640 : i32
    %mul3A_22 = arith.muli %arg1, %mul3A_21 : i32
    %add3A_23 = arith.constant 128 : i32
    %add3A_24 = arith.addi %mul3A_22, %add3A_23 : i32
    "tpu.region"() ({
      %run_scoped3A = tpu.sem_alloc : memref<!tpu.dma_semaphore, #tpu.memory_space<semaphore_mem>>
      %dma_start3A = arith.constant 0 : i32
      %dma_start3A_49 = tpu.memref_slice %arg7[%add3A_24, %dma_start3A] : memref<10240x16xf32, #tpu.memory_space<vmem_shared>> -> memref<128x16xf32, #tpu.memory_space<vmem_shared>>
      %dma_start3A_50 = arith.constant 0 : i32
      %dma_start3A_51 = tpu.memref_slice %arg7[%add3A_24, %dma_start3A_50] : memref<10240x16xf32, #tpu.memory_space<vmem_shared>> -> memref<128x16xf32, #tpu.memory_space<vmem_shared>>
      tpu.enqueue_dma source(%arg6 : memref<128x16xf32, #tpu.memory_space<vmem>>) target(%dma_start3A_51 : memref<128x16xf32, #tpu.memory_space<vmem_shared>>) target_semaphore(%run_scoped3A : memref<!tpu.dma_semaphore, #tpu.memory_space<semaphore_mem>>)
      %dma_wait3A = arith.constant 0 : i32
      %dma_wait3A_52 = tpu.memref_slice %arg7[%add3A_24, %dma_wait3A] : memref<10240x16xf32, #tpu.memory_space<vmem_shared>> -> memref<128x16xf32, #tpu.memory_space<vmem_shared>>
      %dma_wait3A_53 = arith.constant 0 : i32
      %dma_wait3A_54 = tpu.memref_slice %arg7[%add3A_24, %dma_wait3A_53] : memref<10240x16xf32, #tpu.memory_space<vmem_shared>> -> memref<128x16xf32, #tpu.memory_space<vmem_shared>>
      tpu.wait_dma2 semaphore(%run_scoped3A : memref<!tpu.dma_semaphore, #tpu.memory_space<semaphore_mem>>) src(%arg6 : memref<128x16xf32, #tpu.memory_space<vmem>>) dst(%dma_wait3A_54 : memref<128x16xf32, #tpu.memory_space<vmem_shared>>)
      tpu.yield
    }) : () -> ()
    %mul3A_25 = arith.constant 640 : i32
    %mul3A_26 = arith.muli %arg1, %mul3A_25 : i32
    %add3A_27 = arith.constant 256 : i32
    %add3A_28 = arith.addi %mul3A_26, %add3A_27 : i32
    "tpu.region"() ({
      %run_scoped3A = tpu.sem_alloc : memref<!tpu.dma_semaphore, #tpu.memory_space<semaphore_mem>>
      %dma_start3A = arith.constant 0 : i32
      %dma_start3A_49 = tpu.memref_slice %arg7[%add3A_28, %dma_start3A] : memref<10240x16xf32, #tpu.memory_space<vmem_shared>> -> memref<128x16xf32, #tpu.memory_space<vmem_shared>>
      %dma_start3A_50 = arith.constant 0 : i32
      %dma_start3A_51 = tpu.memref_slice %arg7[%add3A_28, %dma_start3A_50] : memref<10240x16xf32, #tpu.memory_space<vmem_shared>> -> memref<128x16xf32, #tpu.memory_space<vmem_shared>>
      tpu.enqueue_dma source(%arg6 : memref<128x16xf32, #tpu.memory_space<vmem>>) target(%dma_start3A_51 : memref<128x16xf32, #tpu.memory_space<vmem_shared>>) target_semaphore(%run_scoped3A : memref<!tpu.dma_semaphore, #tpu.memory_space<semaphore_mem>>)
      %dma_wait3A = arith.constant 0 : i32
      %dma_wait3A_52 = tpu.memref_slice %arg7[%add3A_28, %dma_wait3A] : memref<10240x16xf32, #tpu.memory_space<vmem_shared>> -> memref<128x16xf32, #tpu.memory_space<vmem_shared>>
      %dma_wait3A_53 = arith.constant 0 : i32
      %dma_wait3A_54 = tpu.memref_slice %arg7[%add3A_28, %dma_wait3A_53] : memref<10240x16xf32, #tpu.memory_space<vmem_shared>> -> memref<128x16xf32, #tpu.memory_space<vmem_shared>>
      tpu.wait_dma2 semaphore(%run_scoped3A : memref<!tpu.dma_semaphore, #tpu.memory_space<semaphore_mem>>) src(%arg6 : memref<128x16xf32, #tpu.memory_space<vmem>>) dst(%dma_wait3A_54 : memref<128x16xf32, #tpu.memory_space<vmem_shared>>)
      tpu.yield
    }) : () -> ()
    %mul3A_29 = arith.constant 640 : i32
    %mul3A_30 = arith.muli %arg1, %mul3A_29 : i32
    %add3A_31 = arith.constant 384 : i32
    %add3A_32 = arith.addi %mul3A_30, %add3A_31 : i32
    "tpu.region"() ({
      %run_scoped3A = tpu.sem_alloc : memref<!tpu.dma_semaphore, #tpu.memory_space<semaphore_mem>>
      %dma_start3A = arith.constant 0 : i32
      %dma_start3A_49 = tpu.memref_slice %arg7[%add3A_32, %dma_start3A] : memref<10240x16xf32, #tpu.memory_space<vmem_shared>> -> memref<128x16xf32, #tpu.memory_space<vmem_shared>>
      %dma_start3A_50 = arith.constant 0 : i32
      %dma_start3A_51 = tpu.memref_slice %arg7[%add3A_32, %dma_start3A_50] : memref<10240x16xf32, #tpu.memory_space<vmem_shared>> -> memref<128x16xf32, #tpu.memory_space<vmem_shared>>
      tpu.enqueue_dma source(%arg6 : memref<128x16xf32, #tpu.memory_space<vmem>>) target(%dma_start3A_51 : memref<128x16xf32, #tpu.memory_space<vmem_shared>>) target_semaphore(%run_scoped3A : memref<!tpu.dma_semaphore, #tpu.memory_space<semaphore_mem>>)
      %dma_wait3A = arith.constant 0 : i32
      %dma_wait3A_52 = tpu.memref_slice %arg7[%add3A_32, %dma_wait3A] : memref<10240x16xf32, #tpu.memory_space<vmem_shared>> -> memref<128x16xf32, #tpu.memory_space<vmem_shared>>
      %dma_wait3A_53 = arith.constant 0 : i32
      %dma_wait3A_54 = tpu.memref_slice %arg7[%add3A_32, %dma_wait3A_53] : memref<10240x16xf32, #tpu.memory_space<vmem_shared>> -> memref<128x16xf32, #tpu.memory_space<vmem_shared>>
      tpu.wait_dma2 semaphore(%run_scoped3A : memref<!tpu.dma_semaphore, #tpu.memory_space<semaphore_mem>>) src(%arg6 : memref<128x16xf32, #tpu.memory_space<vmem>>) dst(%dma_wait3A_54 : memref<128x16xf32, #tpu.memory_space<vmem_shared>>)
      tpu.yield
    }) : () -> ()
    %mul3A_33 = arith.constant 640 : i32
    %mul3A_34 = arith.muli %arg1, %mul3A_33 : i32
    %add3A_35 = arith.constant 512 : i32
    %add3A_36 = arith.addi %mul3A_34, %add3A_35 : i32
    "tpu.region"() ({
      %run_scoped3A = tpu.sem_alloc : memref<!tpu.dma_semaphore, #tpu.memory_space<semaphore_mem>>
      %dma_start3A = arith.constant 0 : i32
      %dma_start3A_49 = tpu.memref_slice %arg7[%add3A_36, %dma_start3A] : memref<10240x16xf32, #tpu.memory_space<vmem_shared>> -> memref<128x16xf32, #tpu.memory_space<vmem_shared>>
      %dma_start3A_50 = arith.constant 0 : i32
      %dma_start3A_51 = tpu.memref_slice %arg7[%add3A_36, %dma_start3A_50] : memref<10240x16xf32, #tpu.memory_space<vmem_shared>> -> memref<128x16xf32, #tpu.memory_space<vmem_shared>>
      tpu.enqueue_dma source(%arg6 : memref<128x16xf32, #tpu.memory_space<vmem>>) target(%dma_start3A_51 : memref<128x16xf32, #tpu.memory_space<vmem_shared>>) target_semaphore(%run_scoped3A : memref<!tpu.dma_semaphore, #tpu.memory_space<semaphore_mem>>)
      %dma_wait3A = arith.constant 0 : i32
      %dma_wait3A_52 = tpu.memref_slice %arg7[%add3A_36, %dma_wait3A] : memref<10240x16xf32, #tpu.memory_space<vmem_shared>> -> memref<128x16xf32, #tpu.memory_space<vmem_shared>>
      %dma_wait3A_53 = arith.constant 0 : i32
      %dma_wait3A_54 = tpu.memref_slice %arg7[%add3A_36, %dma_wait3A_53] : memref<10240x16xf32, #tpu.memory_space<vmem_shared>> -> memref<128x16xf32, #tpu.memory_space<vmem_shared>>
      tpu.wait_dma2 semaphore(%run_scoped3A : memref<!tpu.dma_semaphore, #tpu.memory_space<semaphore_mem>>) src(%arg6 : memref<128x16xf32, #tpu.memory_space<vmem>>) dst(%dma_wait3A_54 : memref<128x16xf32, #tpu.memory_space<vmem_shared>>)
      tpu.yield
    }) : () -> ()
    %barrier3A = arith.constant 0 : index
    tpu.barrier barrier_id(%barrier3A)
    "tpu.region"() ({
      %run_scoped3A = tpu.sem_alloc : memref<!tpu.dma_semaphore, #tpu.memory_space<semaphore_mem>>
      %dma_start3A = arith.constant 0 : i32
      %dma_start3A_49 = arith.constant 0 : i32
      %dma_start3A_50 = tpu.memref_slice %arg2[%add3A, %dma_start3A, %dma_start3A_49] : memref<32x10x1024xi32, #tpu.memory_space<hbm>> -> memref<1x10x1024xi32, #tpu.memory_space<hbm>>
      %dma_start3A_51 = tpu.memref_squeeze %dma_start3A_50 : memref<1x10x1024xi32, #tpu.memory_space<hbm>> -> memref<10x1024xi32, #tpu.memory_space<hbm>>
      %dma_start3A_52 = arith.constant 0 : i32
      %dma_start3A_53 = arith.constant 0 : i32
      %dma_start3A_54 = tpu.memref_slice %arg2[%add3A, %dma_start3A_52, %dma_start3A_53] : memref<32x10x1024xi32, #tpu.memory_space<hbm>> -> memref<1x10x1024xi32, #tpu.memory_space<hbm>>
      %dma_start3A_55 = tpu.memref_squeeze %dma_start3A_54 : memref<1x10x1024xi32, #tpu.memory_space<hbm>> -> memref<10x1024xi32, #tpu.memory_space<hbm>>
      tpu.enqueue_dma source(%dma_start3A_55 : memref<10x1024xi32, #tpu.memory_space<hbm>>) target(%arg4 : memref<10x1024xi32, #tpu.memory_space<vmem>>) target_semaphore(%run_scoped3A : memref<!tpu.dma_semaphore, #tpu.memory_space<semaphore_mem>>)
      %dma_wait3A = arith.constant 0 : i32
      %dma_wait3A_56 = arith.constant 0 : i32
      %dma_wait3A_57 = tpu.memref_slice %arg2[%add3A, %dma_wait3A, %dma_wait3A_56] : memref<32x10x1024xi32, #tpu.memory_space<hbm>> -> memref<1x10x1024xi32, #tpu.memory_space<hbm>>
      %dma_wait3A_58 = tpu.memref_squeeze %dma_wait3A_57 : memref<1x10x1024xi32, #tpu.memory_space<hbm>> -> memref<10x1024xi32, #tpu.memory_space<hbm>>
      %dma_wait3A_59 = arith.constant 0 : i32
      %dma_wait3A_60 = arith.constant 0 : i32
      %dma_wait3A_61 = tpu.memref_slice %arg2[%add3A, %dma_wait3A_59, %dma_wait3A_60] : memref<32x10x1024xi32, #tpu.memory_space<hbm>> -> memref<1x10x1024xi32, #tpu.memory_space<hbm>>
      %dma_wait3A_62 = tpu.memref_squeeze %dma_wait3A_61 : memref<1x10x1024xi32, #tpu.memory_space<hbm>> -> memref<10x1024xi32, #tpu.memory_space<hbm>>
      tpu.wait_dma2 semaphore(%run_scoped3A : memref<!tpu.dma_semaphore, #tpu.memory_space<semaphore_mem>>) src(%dma_wait3A_62 : memref<10x1024xi32, #tpu.memory_space<hbm>>) dst(%arg4 : memref<10x1024xi32, #tpu.memory_space<vmem>>)
      tpu.yield
    }) : () -> ()
    %scan3A_37 = arith.constant 0 : i32
    %scan3A_38 = arith.constant 0 : i32
    %scan3A_39 = arith.constant 10 : i32
    %scan3A_40 = arith.addi %scan3A_38, %scan3A_39 : i32
    %scan3A_41 = arith.constant 1 : i32
    %scan3A_42 = scf.for %scan3A_49 = %scan3A_38 to %scan3A_40 step %scan3A_41 iter_args(%scan3A_50 = %scan3A_37) -> (i32)  : i32 {
      "tpu.region"() ({
        %run_scoped3A = tpu.sem_alloc : memref<!tpu.dma_semaphore, #tpu.memory_space<semaphore_mem>>
        %dma_start3A = arith.constant 0 : i32
        %dma_start3A_52 = tpu.memref_slice %arg4[%scan3A_49, %dma_start3A] : memref<10x1024xi32, #tpu.memory_space<vmem>> -> memref<1x1024xi32, #tpu.memory_space<vmem>>
        %dma_start3A_53 = tpu.memref_squeeze %dma_start3A_52 : memref<1x1024xi32, #tpu.memory_space<vmem>> -> memref<1024xi32, #tpu.memory_space<vmem>>
        %dma_start3A_54 = arith.constant 0 : i32
        %dma_start3A_55 = arith.constant 0 : i32
        %dma_start3A_56 = tpu.memref_slice %arg7[%dma_start3A_54, %dma_start3A_55] : memref<10240x16xf32, #tpu.memory_space<vmem_shared>> -> memref<10240x16xf32, #tpu.memory_space<vmem_shared>>
        tpu.enqueue_indirect_dma source(%arg5 : memref<1024x16xf32, #tpu.memory_space<vmem>>) target(%dma_start3A_56 : memref<10240x16xf32, #tpu.memory_space<vmem_shared>>) offsets(%dma_start3A_53 : memref<1024xi32, #tpu.memory_space<vmem>>) semaphore(%run_scoped3A : memref<!tpu.dma_semaphore, #tpu.memory_space<semaphore_mem>>) {add = true}
        %dma_wait3A = arith.constant 0 : i32
        %dma_wait3A_57 = tpu.memref_slice %arg4[%scan3A_49, %dma_wait3A] : memref<10x1024xi32, #tpu.memory_space<vmem>> -> memref<1x1024xi32, #tpu.memory_space<vmem>>
        %dma_wait3A_58 = tpu.memref_squeeze %dma_wait3A_57 : memref<1x1024xi32, #tpu.memory_space<vmem>> -> memref<1024xi32, #tpu.memory_space<vmem>>
        %dma_wait3A_59 = arith.constant 0 : i32
        %dma_wait3A_60 = arith.constant 0 : i32
        %dma_wait3A_61 = tpu.memref_slice %arg7[%dma_wait3A_59, %dma_wait3A_60] : memref<10240x16xf32, #tpu.memory_space<vmem_shared>> -> memref<10240x16xf32, #tpu.memory_space<vmem_shared>>
        tpu.wait_indirect_dma semaphore(%run_scoped3A : memref<!tpu.dma_semaphore, #tpu.memory_space<semaphore_mem>>) src(%arg5 : memref<1024x16xf32, #tpu.memory_space<vmem>>) dst(%dma_wait3A_61 : memref<10240x16xf32, #tpu.memory_space<vmem_shared>>)
        tpu.yield
      }) : () -> ()
      %scan3A_51 = arith.constant 0 : i32
      scf.yield %scan3A_51 : i32
    }
    %scan3A_43 = arith.constant 10 : i32
    %barrier3A_44 = arith.constant 0 : index
    tpu.barrier barrier_id(%barrier3A_44)
    %mul3A_45 = arith.constant 640 : i32
    %mul3A_46 = arith.muli %arg1, %mul3A_45 : i32
    %mul3A_47 = arith.constant 640 : i32
    %mul3A_48 = arith.muli %arg1, %mul3A_47 : i32
    "tpu.region"() ({
      %run_scoped3A = tpu.sem_alloc : memref<!tpu.dma_semaphore, #tpu.memory_space<semaphore_mem>>
      %dma_start3A = arith.constant 0 : i32
      %dma_start3A_49 = tpu.memref_slice %arg3[%arg0, %mul3A_48, %dma_start3A] : memref<2x10240x16xf32, #tpu.memory_space<hbm>> -> memref<1x640x16xf32, #tpu.memory_space<hbm>>
      %dma_start3A_50 = tpu.memref_squeeze %dma_start3A_49 : memref<1x640x16xf32, #tpu.memory_space<hbm>> -> memref<640x16xf32, #tpu.memory_space<hbm>>
      %dma_start3A_51 = arith.constant 0 : i32
      %dma_start3A_52 = tpu.memref_slice %arg7[%mul3A_46, %dma_start3A_51] : memref<10240x16xf32, #tpu.memory_space<vmem_shared>> -> memref<640x16xf32, #tpu.memory_space<vmem_shared>>
      tpu.enqueue_dma source(%dma_start3A_52 : memref<640x16xf32, #tpu.memory_space<vmem_shared>>) target(%dma_start3A_50 : memref<640x16xf32, #tpu.memory_space<hbm>>) target_semaphore(%run_scoped3A : memref<!tpu.dma_semaphore, #tpu.memory_space<semaphore_mem>>)
      %dma_wait3A = arith.constant 0 : i32
      %dma_wait3A_53 = tpu.memref_slice %arg3[%arg0, %mul3A_48, %dma_wait3A] : memref<2x10240x16xf32, #tpu.memory_space<hbm>> -> memref<1x640x16xf32, #tpu.memory_space<hbm>>
      %dma_wait3A_54 = tpu.memref_squeeze %dma_wait3A_53 : memref<1x640x16xf32, #tpu.memory_space<hbm>> -> memref<640x16xf32, #tpu.memory_space<hbm>>
      %dma_wait3A_55 = arith.constant 0 : i32
      %dma_wait3A_56 = tpu.memref_slice %arg7[%mul3A_46, %dma_wait3A_55] : memref<10240x16xf32, #tpu.memory_space<vmem_shared>> -> memref<640x16xf32, #tpu.memory_space<vmem_shared>>
      tpu.wait_dma2 semaphore(%run_scoped3A : memref<!tpu.dma_semaphore, #tpu.memory_space<semaphore_mem>>) src(%dma_wait3A_56 : memref<640x16xf32, #tpu.memory_space<vmem_shared>>) dst(%dma_wait3A_54 : memref<640x16xf32, #tpu.memory_space<hbm>>)
      tpu.yield
    }) : () -> ()
    return
  }
}

#map = affine_map<(d0, d1) -> (0, 0)>
#map1 = affine_map<(d0, d1) -> (0, 0, 0)>
module attributes {stable_mosaic.version = 14 : i64} {
  func.func @agg_kernel(%arg0: i32, %arg1: i32, %arg2: memref<10000x16xf32, #tpu.memory_space<hbm>>, %arg3: memref<32x10x1024xi32, #tpu.memory_space<hbm>>, %arg4: memref<32x10x1024xi32, #tpu.memory_space<hbm>>, %arg5: memref<2x10240x16xf32, #tpu.memory_space<hbm>>, %arg6: memref<10x1024xi32, #tpu.memory_space<vmem>>, %arg7: memref<10x1024xi32, #tpu.memory_space<vmem>>, %arg8: memref<2x1024x16xf32, #tpu.memory_space<vmem>>, %arg9: memref<128x16xf32, #tpu.memory_space<vmem>>, %arg10: memref<10240x16xf32, #tpu.memory_space<vmem_shared>>, %arg11: memref<!tpu.dma_semaphore, #tpu.memory_space<semaphore_mem>>, %arg12: memref<!tpu.dma_semaphore, #tpu.memory_space<semaphore_mem>>) attributes {dimension_semantics = [#tpu.dimension_semantics<core_parallel>, #tpu.dimension_semantics<subcore_parallel>], iteration_bounds = array<i64: 2, 16>, scalar_prefetch = 0 : i64, scratch_operands = 7 : i64, tpu.core_type = #tpu.core_type<sc_vector_subcore>, window_params = [{transform_indices = #map}, {transform_indices = #map1}, {transform_indices = #map1}, {transform_indices = #map1}]} {
    %mul3A = arith.constant 16 : i32
    %mul3A_0 = arith.muli %arg0, %mul3A : i32
    %add3A = arith.addi %mul3A_0, %arg1 : i32
    %broadcast_in_dim3A = arith.constant 0.000000e+00 : f32
    %broadcast_in_dim3A_1 = vector.broadcast %broadcast_in_dim3A : f32 to vector<16xf32>
    %scan3A = arith.constant 0 : i32
    %scan3A_2 = arith.constant 0 : i32
    %scan3A_3 = arith.constant 128 : i32
    %scan3A_4 = arith.addi %scan3A_2, %scan3A_3 : i32
    %scan3A_5 = arith.constant 1 : i32
    %scan3A_6 = scf.for %scan3A_51 = %scan3A_2 to %scan3A_4 step %scan3A_5 iter_args(%scan3A_52 = %scan3A) -> (i32)  : i32 {
      %swap3A = arith.index_cast %scan3A_51 : i32 to index
      %swap3A_53 = arith.constant 0 : index
      %swap3A_54 = tpu.vector_load %arg9[%swap3A, %swap3A_53] {strides = array<i32>} : memref<128x16xf32, #tpu.memory_space<vmem>>, vector<1x16xf32>,
      %swap3A_55 = vector.shape_cast %swap3A_54 : vector<1x16xf32> to vector<16xf32>
      %swap3A_56 = vector.shape_cast %broadcast_in_dim3A_1 : vector<16xf32> to vector<1x16xf32>
      tpu.vector_store %arg9[%swap3A, %swap3A_53], %swap3A_56 {strides = array<i32>} : memref<128x16xf32, #tpu.memory_space<vmem>>, vector<1x16xf32>,
      %scan3A_57 = arith.constant 0 : i32
      scf.yield %scan3A_57 : i32
    }
    %scan3A_7 = arith.constant 128 : i32
    %mul3A_8 = arith.constant 640 : i32
    %mul3A_9 = arith.muli %arg1, %mul3A_8 : i32
    %add3A_10 = arith.constant 0 : i32
    %add3A_11 = arith.addi %mul3A_9, %add3A_10 : i32
    "tpu.region"() ({
      %run_scoped3A = tpu.sem_alloc : memref<!tpu.dma_semaphore, #tpu.memory_space<semaphore_mem>>
      %dma_start3A_51 = arith.constant 0 : i32
      %dma_start3A_52 = tpu.memref_slice %arg10[%add3A_11, %dma_start3A_51] : memref<10240x16xf32, #tpu.memory_space<vmem_shared>> -> memref<128x16xf32, #tpu.memory_space<vmem_shared>>
      %dma_start3A_53 = arith.constant 0 : i32
      %dma_start3A_54 = tpu.memref_slice %arg10[%add3A_11, %dma_start3A_53] : memref<10240x16xf32, #tpu.memory_space<vmem_shared>> -> memref<128x16xf32, #tpu.memory_space<vmem_shared>>
      tpu.enqueue_dma source(%arg9 : memref<128x16xf32, #tpu.memory_space<vmem>>) target(%dma_start3A_54 : memref<128x16xf32, #tpu.memory_space<vmem_shared>>) target_semaphore(%run_scoped3A : memref<!tpu.dma_semaphore, #tpu.memory_space<semaphore_mem>>)
      %dma_wait3A = arith.constant 0 : i32
      %dma_wait3A_55 = tpu.memref_slice %arg10[%add3A_11, %dma_wait3A] : memref<10240x16xf32, #tpu.memory_space<vmem_shared>> -> memref<128x16xf32, #tpu.memory_space<vmem_shared>>
      %dma_wait3A_56 = arith.constant 0 : i32
      %dma_wait3A_57 = tpu.memref_slice %arg10[%add3A_11, %dma_wait3A_56] : memref<10240x16xf32, #tpu.memory_space<vmem_shared>> -> memref<128x16xf32, #tpu.memory_space<vmem_shared>>
      tpu.wait_dma2 semaphore(%run_scoped3A : memref<!tpu.dma_semaphore, #tpu.memory_space<semaphore_mem>>) src(%arg9 : memref<128x16xf32, #tpu.memory_space<vmem>>) dst(%dma_wait3A_57 : memref<128x16xf32, #tpu.memory_space<vmem_shared>>)
      tpu.yield
    }) : () -> ()
    %mul3A_12 = arith.constant 640 : i32
    %mul3A_13 = arith.muli %arg1, %mul3A_12 : i32
    %add3A_14 = arith.constant 128 : i32
    %add3A_15 = arith.addi %mul3A_13, %add3A_14 : i32
    "tpu.region"() ({
      %run_scoped3A = tpu.sem_alloc : memref<!tpu.dma_semaphore, #tpu.memory_space<semaphore_mem>>
      %dma_start3A_51 = arith.constant 0 : i32
      %dma_start3A_52 = tpu.memref_slice %arg10[%add3A_15, %dma_start3A_51] : memref<10240x16xf32, #tpu.memory_space<vmem_shared>> -> memref<128x16xf32, #tpu.memory_space<vmem_shared>>
      %dma_start3A_53 = arith.constant 0 : i32
      %dma_start3A_54 = tpu.memref_slice %arg10[%add3A_15, %dma_start3A_53] : memref<10240x16xf32, #tpu.memory_space<vmem_shared>> -> memref<128x16xf32, #tpu.memory_space<vmem_shared>>
      tpu.enqueue_dma source(%arg9 : memref<128x16xf32, #tpu.memory_space<vmem>>) target(%dma_start3A_54 : memref<128x16xf32, #tpu.memory_space<vmem_shared>>) target_semaphore(%run_scoped3A : memref<!tpu.dma_semaphore, #tpu.memory_space<semaphore_mem>>)
      %dma_wait3A = arith.constant 0 : i32
      %dma_wait3A_55 = tpu.memref_slice %arg10[%add3A_15, %dma_wait3A] : memref<10240x16xf32, #tpu.memory_space<vmem_shared>> -> memref<128x16xf32, #tpu.memory_space<vmem_shared>>
      %dma_wait3A_56 = arith.constant 0 : i32
      %dma_wait3A_57 = tpu.memref_slice %arg10[%add3A_15, %dma_wait3A_56] : memref<10240x16xf32, #tpu.memory_space<vmem_shared>> -> memref<128x16xf32, #tpu.memory_space<vmem_shared>>
      tpu.wait_dma2 semaphore(%run_scoped3A : memref<!tpu.dma_semaphore, #tpu.memory_space<semaphore_mem>>) src(%arg9 : memref<128x16xf32, #tpu.memory_space<vmem>>) dst(%dma_wait3A_57 : memref<128x16xf32, #tpu.memory_space<vmem_shared>>)
      tpu.yield
    }) : () -> ()
    %mul3A_16 = arith.constant 640 : i32
    %mul3A_17 = arith.muli %arg1, %mul3A_16 : i32
    %add3A_18 = arith.constant 256 : i32
    %add3A_19 = arith.addi %mul3A_17, %add3A_18 : i32
    "tpu.region"() ({
      %run_scoped3A = tpu.sem_alloc : memref<!tpu.dma_semaphore, #tpu.memory_space<semaphore_mem>>
      %dma_start3A_51 = arith.constant 0 : i32
      %dma_start3A_52 = tpu.memref_slice %arg10[%add3A_19, %dma_start3A_51] : memref<10240x16xf32, #tpu.memory_space<vmem_shared>> -> memref<128x16xf32, #tpu.memory_space<vmem_shared>>
      %dma_start3A_53 = arith.constant 0 : i32
      %dma_start3A_54 = tpu.memref_slice %arg10[%add3A_19, %dma_start3A_53] : memref<10240x16xf32, #tpu.memory_space<vmem_shared>> -> memref<128x16xf32, #tpu.memory_space<vmem_shared>>
      tpu.enqueue_dma source(%arg9 : memref<128x16xf32, #tpu.memory_space<vmem>>) target(%dma_start3A_54 : memref<128x16xf32, #tpu.memory_space<vmem_shared>>) target_semaphore(%run_scoped3A : memref<!tpu.dma_semaphore, #tpu.memory_space<semaphore_mem>>)
      %dma_wait3A = arith.constant 0 : i32
      %dma_wait3A_55 = tpu.memref_slice %arg10[%add3A_19, %dma_wait3A] : memref<10240x16xf32, #tpu.memory_space<vmem_shared>> -> memref<128x16xf32, #tpu.memory_space<vmem_shared>>
      %dma_wait3A_56 = arith.constant 0 : i32
      %dma_wait3A_57 = tpu.memref_slice %arg10[%add3A_19, %dma_wait3A_56] : memref<10240x16xf32, #tpu.memory_space<vmem_shared>> -> memref<128x16xf32, #tpu.memory_space<vmem_shared>>
      tpu.wait_dma2 semaphore(%run_scoped3A : memref<!tpu.dma_semaphore, #tpu.memory_space<semaphore_mem>>) src(%arg9 : memref<128x16xf32, #tpu.memory_space<vmem>>) dst(%dma_wait3A_57 : memref<128x16xf32, #tpu.memory_space<vmem_shared>>)
      tpu.yield
    }) : () -> ()
    %mul3A_20 = arith.constant 640 : i32
    %mul3A_21 = arith.muli %arg1, %mul3A_20 : i32
    %add3A_22 = arith.constant 384 : i32
    %add3A_23 = arith.addi %mul3A_21, %add3A_22 : i32
    "tpu.region"() ({
      %run_scoped3A = tpu.sem_alloc : memref<!tpu.dma_semaphore, #tpu.memory_space<semaphore_mem>>
      %dma_start3A_51 = arith.constant 0 : i32
      %dma_start3A_52 = tpu.memref_slice %arg10[%add3A_23, %dma_start3A_51] : memref<10240x16xf32, #tpu.memory_space<vmem_shared>> -> memref<128x16xf32, #tpu.memory_space<vmem_shared>>
      %dma_start3A_53 = arith.constant 0 : i32
      %dma_start3A_54 = tpu.memref_slice %arg10[%add3A_23, %dma_start3A_53] : memref<10240x16xf32, #tpu.memory_space<vmem_shared>> -> memref<128x16xf32, #tpu.memory_space<vmem_shared>>
      tpu.enqueue_dma source(%arg9 : memref<128x16xf32, #tpu.memory_space<vmem>>) target(%dma_start3A_54 : memref<128x16xf32, #tpu.memory_space<vmem_shared>>) target_semaphore(%run_scoped3A : memref<!tpu.dma_semaphore, #tpu.memory_space<semaphore_mem>>)
      %dma_wait3A = arith.constant 0 : i32
      %dma_wait3A_55 = tpu.memref_slice %arg10[%add3A_23, %dma_wait3A] : memref<10240x16xf32, #tpu.memory_space<vmem_shared>> -> memref<128x16xf32, #tpu.memory_space<vmem_shared>>
      %dma_wait3A_56 = arith.constant 0 : i32
      %dma_wait3A_57 = tpu.memref_slice %arg10[%add3A_23, %dma_wait3A_56] : memref<10240x16xf32, #tpu.memory_space<vmem_shared>> -> memref<128x16xf32, #tpu.memory_space<vmem_shared>>
      tpu.wait_dma2 semaphore(%run_scoped3A : memref<!tpu.dma_semaphore, #tpu.memory_space<semaphore_mem>>) src(%arg9 : memref<128x16xf32, #tpu.memory_space<vmem>>) dst(%dma_wait3A_57 : memref<128x16xf32, #tpu.memory_space<vmem_shared>>)
      tpu.yield
    }) : () -> ()
    %mul3A_24 = arith.constant 640 : i32
    %mul3A_25 = arith.muli %arg1, %mul3A_24 : i32
    %add3A_26 = arith.constant 512 : i32
    %add3A_27 = arith.addi %mul3A_25, %add3A_26 : i32
    "tpu.region"() ({
      %run_scoped3A = tpu.sem_alloc : memref<!tpu.dma_semaphore, #tpu.memory_space<semaphore_mem>>
      %dma_start3A_51 = arith.constant 0 : i32
      %dma_start3A_52 = tpu.memref_slice %arg10[%add3A_27, %dma_start3A_51] : memref<10240x16xf32, #tpu.memory_space<vmem_shared>> -> memref<128x16xf32, #tpu.memory_space<vmem_shared>>
      %dma_start3A_53 = arith.constant 0 : i32
      %dma_start3A_54 = tpu.memref_slice %arg10[%add3A_27, %dma_start3A_53] : memref<10240x16xf32, #tpu.memory_space<vmem_shared>> -> memref<128x16xf32, #tpu.memory_space<vmem_shared>>
      tpu.enqueue_dma source(%arg9 : memref<128x16xf32, #tpu.memory_space<vmem>>) target(%dma_start3A_54 : memref<128x16xf32, #tpu.memory_space<vmem_shared>>) target_semaphore(%run_scoped3A : memref<!tpu.dma_semaphore, #tpu.memory_space<semaphore_mem>>)
      %dma_wait3A = arith.constant 0 : i32
      %dma_wait3A_55 = tpu.memref_slice %arg10[%add3A_27, %dma_wait3A] : memref<10240x16xf32, #tpu.memory_space<vmem_shared>> -> memref<128x16xf32, #tpu.memory_space<vmem_shared>>
      %dma_wait3A_56 = arith.constant 0 : i32
      %dma_wait3A_57 = tpu.memref_slice %arg10[%add3A_27, %dma_wait3A_56] : memref<10240x16xf32, #tpu.memory_space<vmem_shared>> -> memref<128x16xf32, #tpu.memory_space<vmem_shared>>
      tpu.wait_dma2 semaphore(%run_scoped3A : memref<!tpu.dma_semaphore, #tpu.memory_space<semaphore_mem>>) src(%arg9 : memref<128x16xf32, #tpu.memory_space<vmem>>) dst(%dma_wait3A_57 : memref<128x16xf32, #tpu.memory_space<vmem_shared>>)
      tpu.yield
    }) : () -> ()
    %barrier3A = arith.constant 0 : index
    tpu.barrier barrier_id(%barrier3A)
    "tpu.region"() ({
      %run_scoped3A = tpu.sem_alloc : memref<!tpu.dma_semaphore, #tpu.memory_space<semaphore_mem>>
      %dma_start3A_51 = arith.constant 0 : i32
      %dma_start3A_52 = arith.constant 0 : i32
      %dma_start3A_53 = tpu.memref_slice %arg3[%add3A, %dma_start3A_51, %dma_start3A_52] : memref<32x10x1024xi32, #tpu.memory_space<hbm>> -> memref<1x10x1024xi32, #tpu.memory_space<hbm>>
      %dma_start3A_54 = tpu.memref_squeeze %dma_start3A_53 : memref<1x10x1024xi32, #tpu.memory_space<hbm>> -> memref<10x1024xi32, #tpu.memory_space<hbm>>
      %dma_start3A_55 = arith.constant 0 : i32
      %dma_start3A_56 = arith.constant 0 : i32
      %dma_start3A_57 = tpu.memref_slice %arg3[%add3A, %dma_start3A_55, %dma_start3A_56] : memref<32x10x1024xi32, #tpu.memory_space<hbm>> -> memref<1x10x1024xi32, #tpu.memory_space<hbm>>
      %dma_start3A_58 = tpu.memref_squeeze %dma_start3A_57 : memref<1x10x1024xi32, #tpu.memory_space<hbm>> -> memref<10x1024xi32, #tpu.memory_space<hbm>>
      tpu.enqueue_dma source(%dma_start3A_58 : memref<10x1024xi32, #tpu.memory_space<hbm>>) target(%arg6 : memref<10x1024xi32, #tpu.memory_space<vmem>>) target_semaphore(%run_scoped3A : memref<!tpu.dma_semaphore, #tpu.memory_space<semaphore_mem>>)
      %dma_wait3A = arith.constant 0 : i32
      %dma_wait3A_59 = arith.constant 0 : i32
      %dma_wait3A_60 = tpu.memref_slice %arg3[%add3A, %dma_wait3A, %dma_wait3A_59] : memref<32x10x1024xi32, #tpu.memory_space<hbm>> -> memref<1x10x1024xi32, #tpu.memory_space<hbm>>
      %dma_wait3A_61 = tpu.memref_squeeze %dma_wait3A_60 : memref<1x10x1024xi32, #tpu.memory_space<hbm>> -> memref<10x1024xi32, #tpu.memory_space<hbm>>
      %dma_wait3A_62 = arith.constant 0 : i32
      %dma_wait3A_63 = arith.constant 0 : i32
      %dma_wait3A_64 = tpu.memref_slice %arg3[%add3A, %dma_wait3A_62, %dma_wait3A_63] : memref<32x10x1024xi32, #tpu.memory_space<hbm>> -> memref<1x10x1024xi32, #tpu.memory_space<hbm>>
      %dma_wait3A_65 = tpu.memref_squeeze %dma_wait3A_64 : memref<1x10x1024xi32, #tpu.memory_space<hbm>> -> memref<10x1024xi32, #tpu.memory_space<hbm>>
      tpu.wait_dma2 semaphore(%run_scoped3A : memref<!tpu.dma_semaphore, #tpu.memory_space<semaphore_mem>>) src(%dma_wait3A_65 : memref<10x1024xi32, #tpu.memory_space<hbm>>) dst(%arg6 : memref<10x1024xi32, #tpu.memory_space<vmem>>)
      tpu.yield
    }) : () -> ()
    "tpu.region"() ({
      %run_scoped3A = tpu.sem_alloc : memref<!tpu.dma_semaphore, #tpu.memory_space<semaphore_mem>>
      %dma_start3A_51 = arith.constant 0 : i32
      %dma_start3A_52 = arith.constant 0 : i32
      %dma_start3A_53 = tpu.memref_slice %arg4[%add3A, %dma_start3A_51, %dma_start3A_52] : memref<32x10x1024xi32, #tpu.memory_space<hbm>> -> memref<1x10x1024xi32, #tpu.memory_space<hbm>>
      %dma_start3A_54 = tpu.memref_squeeze %dma_start3A_53 : memref<1x10x1024xi32, #tpu.memory_space<hbm>> -> memref<10x1024xi32, #tpu.memory_space<hbm>>
      %dma_start3A_55 = arith.constant 0 : i32
      %dma_start3A_56 = arith.constant 0 : i32
      %dma_start3A_57 = tpu.memref_slice %arg4[%add3A, %dma_start3A_55, %dma_start3A_56] : memref<32x10x1024xi32, #tpu.memory_space<hbm>> -> memref<1x10x1024xi32, #tpu.memory_space<hbm>>
      %dma_start3A_58 = tpu.memref_squeeze %dma_start3A_57 : memref<1x10x1024xi32, #tpu.memory_space<hbm>> -> memref<10x1024xi32, #tpu.memory_space<hbm>>
      tpu.enqueue_dma source(%dma_start3A_58 : memref<10x1024xi32, #tpu.memory_space<hbm>>) target(%arg7 : memref<10x1024xi32, #tpu.memory_space<vmem>>) target_semaphore(%run_scoped3A : memref<!tpu.dma_semaphore, #tpu.memory_space<semaphore_mem>>)
      %dma_wait3A = arith.constant 0 : i32
      %dma_wait3A_59 = arith.constant 0 : i32
      %dma_wait3A_60 = tpu.memref_slice %arg4[%add3A, %dma_wait3A, %dma_wait3A_59] : memref<32x10x1024xi32, #tpu.memory_space<hbm>> -> memref<1x10x1024xi32, #tpu.memory_space<hbm>>
      %dma_wait3A_61 = tpu.memref_squeeze %dma_wait3A_60 : memref<1x10x1024xi32, #tpu.memory_space<hbm>> -> memref<10x1024xi32, #tpu.memory_space<hbm>>
      %dma_wait3A_62 = arith.constant 0 : i32
      %dma_wait3A_63 = arith.constant 0 : i32
      %dma_wait3A_64 = tpu.memref_slice %arg4[%add3A, %dma_wait3A_62, %dma_wait3A_63] : memref<32x10x1024xi32, #tpu.memory_space<hbm>> -> memref<1x10x1024xi32, #tpu.memory_space<hbm>>
      %dma_wait3A_65 = tpu.memref_squeeze %dma_wait3A_64 : memref<1x10x1024xi32, #tpu.memory_space<hbm>> -> memref<10x1024xi32, #tpu.memory_space<hbm>>
      tpu.wait_dma2 semaphore(%run_scoped3A : memref<!tpu.dma_semaphore, #tpu.memory_space<semaphore_mem>>) src(%dma_wait3A_65 : memref<10x1024xi32, #tpu.memory_space<hbm>>) dst(%arg7 : memref<10x1024xi32, #tpu.memory_space<vmem>>)
      tpu.yield
    }) : () -> ()
    %dma_start3A = arith.constant 0 : i32
    %dma_start3A_28 = arith.constant 0 : i32
    %dma_start3A_29 = arith.constant 0 : i32
    %dma_start3A_30 = arith.constant 0 : i32
    %dma_start3A_31 = tpu.memref_slice %arg8[%dma_start3A_28, %dma_start3A_29, %dma_start3A_30] : memref<2x1024x16xf32, #tpu.memory_space<vmem>> -> memref<1x1024x16xf32, #tpu.memory_space<vmem>>
    %dma_start3A_32 = tpu.memref_squeeze %dma_start3A_31 : memref<1x1024x16xf32, #tpu.memory_space<vmem>> -> memref<1024x16xf32, #tpu.memory_space<vmem>>
    %dma_start3A_33 = arith.constant 0 : i32
    %dma_start3A_34 = tpu.memref_slice %arg6[%dma_start3A, %dma_start3A_33] : memref<10x1024xi32, #tpu.memory_space<vmem>> -> memref<1x1024xi32, #tpu.memory_space<vmem>>
    %dma_start3A_35 = tpu.memref_squeeze %dma_start3A_34 : memref<1x1024xi32, #tpu.memory_space<vmem>> -> memref<1024xi32, #tpu.memory_space<vmem>>
    %dma_start3A_36 = arith.constant 0 : i32
    %dma_start3A_37 = arith.constant 0 : i32
    %dma_start3A_38 = tpu.memref_slice %arg2[%dma_start3A_36, %dma_start3A_37] : memref<10000x16xf32, #tpu.memory_space<hbm>> -> memref<10000x16xf32, #tpu.memory_space<hbm>>
    tpu.enqueue_indirect_dma source(%dma_start3A_38 : memref<10000x16xf32, #tpu.memory_space<hbm>>) target(%dma_start3A_32 : memref<1024x16xf32, #tpu.memory_space<vmem>>) offsets(%dma_start3A_35 : memref<1024xi32, #tpu.memory_space<vmem>>) semaphore(%arg11 : memref<!tpu.dma_semaphore, #tpu.memory_space<semaphore_mem>>)
    %scan3A_39 = arith.constant 0 : i32
    %scan3A_40 = arith.constant 0 : i32
    %scan3A_41 = arith.constant 5 : i32
    %scan3A_42 = arith.addi %scan3A_40, %scan3A_41 : i32
    %scan3A_43 = arith.constant 1 : i32
    %scan3A_44 = scf.for %scan3A_51 = %scan3A_40 to %scan3A_42 step %scan3A_43 iter_args(%scan3A_52 = %scan3A_39) -> (i32)  : i32 {
      %mul3A_53 = arith.constant 2 : i32
      %mul3A_54 = arith.muli %scan3A_51, %mul3A_53 : i32
      %add3A_55 = arith.constant 0 : i32
      %add3A_56 = arith.addi %mul3A_54, %add3A_55 : i32
      %add3A_57 = arith.constant 1 : i32
      %add3A_58 = arith.addi %add3A_56, %add3A_57 : i32
      %lt3A = arith.constant 10 : i32
      %lt3A_59 = arith.cmpi slt, %add3A_58, %lt3A : i32
      %convert_element_type3A = arith.extui %lt3A_59 : i1 to i32
      %cond3A = arith.constant 0 : i32
      %cond3A_60 = arith.cmpi ne, %convert_element_type3A, %cond3A : i32
      scf.if %cond3A_60 {
        %dma_start3A_93 = arith.constant 1 : i32
        %dma_start3A_94 = arith.constant 0 : i32
        %dma_start3A_95 = arith.constant 0 : i32
        %dma_start3A_96 = tpu.memref_slice %arg8[%dma_start3A_93, %dma_start3A_94, %dma_start3A_95] : memref<2x1024x16xf32, #tpu.memory_space<vmem>> -> memref<1x1024x16xf32, #tpu.memory_space<vmem>>
        %dma_start3A_97 = tpu.memref_squeeze %dma_start3A_96 : memref<1x1024x16xf32, #tpu.memory_space<vmem>> -> memref<1024x16xf32, #tpu.memory_space<vmem>>
        %dma_start3A_98 = arith.constant 0 : i32
        %dma_start3A_99 = tpu.memref_slice %arg6[%add3A_58, %dma_start3A_98] : memref<10x1024xi32, #tpu.memory_space<vmem>> -> memref<1x1024xi32, #tpu.memory_space<vmem>>
        %dma_start3A_100 = tpu.memref_squeeze %dma_start3A_99 : memref<1x1024xi32, #tpu.memory_space<vmem>> -> memref<1024xi32, #tpu.memory_space<vmem>>
        %dma_start3A_101 = arith.constant 0 : i32
        %dma_start3A_102 = arith.constant 0 : i32
        %dma_start3A_103 = tpu.memref_slice %arg2[%dma_start3A_101, %dma_start3A_102] : memref<10000x16xf32, #tpu.memory_space<hbm>> -> memref<10000x16xf32, #tpu.memory_space<hbm>>
        tpu.enqueue_indirect_dma source(%dma_start3A_103 : memref<10000x16xf32, #tpu.memory_space<hbm>>) target(%dma_start3A_97 : memref<1024x16xf32, #tpu.memory_space<vmem>>) offsets(%dma_start3A_100 : memref<1024xi32, #tpu.memory_space<vmem>>) semaphore(%arg12 : memref<!tpu.dma_semaphore, #tpu.memory_space<semaphore_mem>>)
      } else {
      }
      %dma_wait3A = arith.constant 0 : i32
      %dma_wait3A_61 = arith.constant 0 : i32
      %dma_wait3A_62 = arith.constant 0 : i32
      %dma_wait3A_63 = tpu.memref_slice %arg8[%dma_wait3A, %dma_wait3A_61, %dma_wait3A_62] : memref<2x1024x16xf32, #tpu.memory_space<vmem>> -> memref<1x1024x16xf32, #tpu.memory_space<vmem>>
      %dma_wait3A_64 = tpu.memref_squeeze %dma_wait3A_63 : memref<1x1024x16xf32, #tpu.memory_space<vmem>> -> memref<1024x16xf32, #tpu.memory_space<vmem>>
      %dma_wait3A_65 = arith.constant 0 : i32
      %dma_wait3A_66 = tpu.memref_slice %arg6[%add3A_56, %dma_wait3A_65] : memref<10x1024xi32, #tpu.memory_space<vmem>> -> memref<1x1024xi32, #tpu.memory_space<vmem>>
      %dma_wait3A_67 = tpu.memref_squeeze %dma_wait3A_66 : memref<1x1024xi32, #tpu.memory_space<vmem>> -> memref<1024xi32, #tpu.memory_space<vmem>>
      %dma_wait3A_68 = arith.constant 0 : i32
      %dma_wait3A_69 = arith.constant 0 : i32
      %dma_wait3A_70 = tpu.memref_slice %arg2[%dma_wait3A_68, %dma_wait3A_69] : memref<10000x16xf32, #tpu.memory_space<hbm>> -> memref<10000x16xf32, #tpu.memory_space<hbm>>
      tpu.wait_indirect_dma semaphore(%arg11 : memref<!tpu.dma_semaphore, #tpu.memory_space<semaphore_mem>>) src(%dma_wait3A_70 : memref<10000x16xf32, #tpu.memory_space<hbm>>) dst(%dma_wait3A_64 : memref<1024x16xf32, #tpu.memory_space<vmem>>)
      %run_scoped3A = arith.constant 0 : i32
      "tpu.region"() ({
        %run_scoped3A_93 = tpu.sem_alloc : memref<!tpu.dma_semaphore, #tpu.memory_space<semaphore_mem>>
        %dma_start3A_94 = arith.constant 0 : i32
        %dma_start3A_95 = arith.constant 0 : i32
        %dma_start3A_96 = tpu.memref_slice %arg8[%run_scoped3A, %dma_start3A_94, %dma_start3A_95] : memref<2x1024x16xf32, #tpu.memory_space<vmem>> -> memref<1x1024x16xf32, #tpu.memory_space<vmem>>
        %dma_start3A_97 = tpu.memref_squeeze %dma_start3A_96 : memref<1x1024x16xf32, #tpu.memory_space<vmem>> -> memref<1024x16xf32, #tpu.memory_space<vmem>>
        %dma_start3A_98 = arith.constant 0 : i32
        %dma_start3A_99 = tpu.memref_slice %arg7[%add3A_56, %dma_start3A_98] : memref<10x1024xi32, #tpu.memory_space<vmem>> -> memref<1x1024xi32, #tpu.memory_space<vmem>>
        %dma_start3A_100 = tpu.memref_squeeze %dma_start3A_99 : memref<1x1024xi32, #tpu.memory_space<vmem>> -> memref<1024xi32, #tpu.memory_space<vmem>>
        %dma_start3A_101 = arith.constant 0 : i32
        %dma_start3A_102 = arith.constant 0 : i32
        %dma_start3A_103 = tpu.memref_slice %arg10[%dma_start3A_101, %dma_start3A_102] : memref<10240x16xf32, #tpu.memory_space<vmem_shared>> -> memref<10240x16xf32, #tpu.memory_space<vmem_shared>>
        tpu.enqueue_indirect_dma source(%dma_start3A_97 : memref<1024x16xf32, #tpu.memory_space<vmem>>) target(%dma_start3A_103 : memref<10240x16xf32, #tpu.memory_space<vmem_shared>>) offsets(%dma_start3A_100 : memref<1024xi32, #tpu.memory_space<vmem>>) semaphore(%run_scoped3A_93 : memref<!tpu.dma_semaphore, #tpu.memory_space<semaphore_mem>>) {add = true}
        %dma_wait3A_104 = arith.constant 0 : i32
        %dma_wait3A_105 = arith.constant 0 : i32
        %dma_wait3A_106 = tpu.memref_slice %arg8[%run_scoped3A, %dma_wait3A_104, %dma_wait3A_105] : memref<2x1024x16xf32, #tpu.memory_space<vmem>> -> memref<1x1024x16xf32, #tpu.memory_space<vmem>>
        %dma_wait3A_107 = tpu.memref_squeeze %dma_wait3A_106 : memref<1x1024x16xf32, #tpu.memory_space<vmem>> -> memref<1024x16xf32, #tpu.memory_space<vmem>>
        %dma_wait3A_108 = arith.constant 0 : i32
        %dma_wait3A_109 = tpu.memref_slice %arg7[%add3A_56, %dma_wait3A_108] : memref<10x1024xi32, #tpu.memory_space<vmem>> -> memref<1x1024xi32, #tpu.memory_space<vmem>>
        %dma_wait3A_110 = tpu.memref_squeeze %dma_wait3A_109 : memref<1x1024xi32, #tpu.memory_space<vmem>> -> memref<1024xi32, #tpu.memory_space<vmem>>
        %dma_wait3A_111 = arith.constant 0 : i32
        %dma_wait3A_112 = arith.constant 0 : i32
        %dma_wait3A_113 = tpu.memref_slice %arg10[%dma_wait3A_111, %dma_wait3A_112] : memref<10240x16xf32, #tpu.memory_space<vmem_shared>> -> memref<10240x16xf32, #tpu.memory_space<vmem_shared>>
        tpu.wait_indirect_dma semaphore(%run_scoped3A_93 : memref<!tpu.dma_semaphore, #tpu.memory_space<semaphore_mem>>) src(%dma_wait3A_107 : memref<1024x16xf32, #tpu.memory_space<vmem>>) dst(%dma_wait3A_113 : memref<10240x16xf32, #tpu.memory_space<vmem_shared>>)
        tpu.yield
      }) : () -> ()
      %add3A_71 = arith.constant 1 : i32
      %add3A_72 = arith.addi %mul3A_54, %add3A_71 : i32
      %add3A_73 = arith.constant 1 : i32
      %add3A_74 = arith.addi %add3A_72, %add3A_73 : i32
      %lt3A_75 = arith.constant 10 : i32
      %lt3A_76 = arith.cmpi slt, %add3A_74, %lt3A_75 : i32
      %convert_element_type3A_77 = arith.extui %lt3A_76 : i1 to i32
      %cond3A_78 = arith.constant 0 : i32
      %cond3A_79 = arith.cmpi ne, %convert_element_type3A_77, %cond3A_78 : i32
      scf.if %cond3A_79 {
        %dma_start3A_93 = arith.constant 0 : i32
        %dma_start3A_94 = arith.constant 0 : i32
        %dma_start3A_95 = arith.constant 0 : i32
        %dma_start3A_96 = tpu.memref_slice %arg8[%dma_start3A_93, %dma_start3A_94, %dma_start3A_95] : memref<2x1024x16xf32, #tpu.memory_space<vmem>> -> memref<1x1024x16xf32, #tpu.memory_space<vmem>>
        %dma_start3A_97 = tpu.memref_squeeze %dma_start3A_96 : memref<1x1024x16xf32, #tpu.memory_space<vmem>> -> memref<1024x16xf32, #tpu.memory_space<vmem>>
        %dma_start3A_98 = arith.constant 0 : i32
        %dma_start3A_99 = tpu.memref_slice %arg6[%add3A_74, %dma_start3A_98] : memref<10x1024xi32, #tpu.memory_space<vmem>> -> memref<1x1024xi32, #tpu.memory_space<vmem>>
        %dma_start3A_100 = tpu.memref_squeeze %dma_start3A_99 : memref<1x1024xi32, #tpu.memory_space<vmem>> -> memref<1024xi32, #tpu.memory_space<vmem>>
        %dma_start3A_101 = arith.constant 0 : i32
        %dma_start3A_102 = arith.constant 0 : i32
        %dma_start3A_103 = tpu.memref_slice %arg2[%dma_start3A_101, %dma_start3A_102] : memref<10000x16xf32, #tpu.memory_space<hbm>> -> memref<10000x16xf32, #tpu.memory_space<hbm>>
        tpu.enqueue_indirect_dma source(%dma_start3A_103 : memref<10000x16xf32, #tpu.memory_space<hbm>>) target(%dma_start3A_97 : memref<1024x16xf32, #tpu.memory_space<vmem>>) offsets(%dma_start3A_100 : memref<1024xi32, #tpu.memory_space<vmem>>) semaphore(%arg11 : memref<!tpu.dma_semaphore, #tpu.memory_space<semaphore_mem>>)
      } else {
      }
      %dma_wait3A_80 = arith.constant 1 : i32
      %dma_wait3A_81 = arith.constant 0 : i32
      %dma_wait3A_82 = arith.constant 0 : i32
      %dma_wait3A_83 = tpu.memref_slice %arg8[%dma_wait3A_80, %dma_wait3A_81, %dma_wait3A_82] : memref<2x1024x16xf32, #tpu.memory_space<vmem>> -> memref<1x1024x16xf32, #tpu.memory_space<vmem>>
      %dma_wait3A_84 = tpu.memref_squeeze %dma_wait3A_83 : memref<1x1024x16xf32, #tpu.memory_space<vmem>> -> memref<1024x16xf32, #tpu.memory_space<vmem>>
      %dma_wait3A_85 = arith.constant 0 : i32
      %dma_wait3A_86 = tpu.memref_slice %arg6[%add3A_72, %dma_wait3A_85] : memref<10x1024xi32, #tpu.memory_space<vmem>> -> memref<1x1024xi32, #tpu.memory_space<vmem>>
      %dma_wait3A_87 = tpu.memref_squeeze %dma_wait3A_86 : memref<1x1024xi32, #tpu.memory_space<vmem>> -> memref<1024xi32, #tpu.memory_space<vmem>>
      %dma_wait3A_88 = arith.constant 0 : i32
      %dma_wait3A_89 = arith.constant 0 : i32
      %dma_wait3A_90 = tpu.memref_slice %arg2[%dma_wait3A_88, %dma_wait3A_89] : memref<10000x16xf32, #tpu.memory_space<hbm>> -> memref<10000x16xf32, #tpu.memory_space<hbm>>
      tpu.wait_indirect_dma semaphore(%arg12 : memref<!tpu.dma_semaphore, #tpu.memory_space<semaphore_mem>>) src(%dma_wait3A_90 : memref<10000x16xf32, #tpu.memory_space<hbm>>) dst(%dma_wait3A_84 : memref<1024x16xf32, #tpu.memory_space<vmem>>)
      %run_scoped3A_91 = arith.constant 1 : i32
      "tpu.region"() ({
        %run_scoped3A_93 = tpu.sem_alloc : memref<!tpu.dma_semaphore, #tpu.memory_space<semaphore_mem>>
        %dma_start3A_94 = arith.constant 0 : i32
        %dma_start3A_95 = arith.constant 0 : i32
        %dma_start3A_96 = tpu.memref_slice %arg8[%run_scoped3A_91, %dma_start3A_94, %dma_start3A_95] : memref<2x1024x16xf32, #tpu.memory_space<vmem>> -> memref<1x1024x16xf32, #tpu.memory_space<vmem>>
        %dma_start3A_97 = tpu.memref_squeeze %dma_start3A_96 : memref<1x1024x16xf32, #tpu.memory_space<vmem>> -> memref<1024x16xf32, #tpu.memory_space<vmem>>
        %dma_start3A_98 = arith.constant 0 : i32
        %dma_start3A_99 = tpu.memref_slice %arg7[%add3A_72, %dma_start3A_98] : memref<10x1024xi32, #tpu.memory_space<vmem>> -> memref<1x1024xi32, #tpu.memory_space<vmem>>
        %dma_start3A_100 = tpu.memref_squeeze %dma_start3A_99 : memref<1x1024xi32, #tpu.memory_space<vmem>> -> memref<1024xi32, #tpu.memory_space<vmem>>
        %dma_start3A_101 = arith.constant 0 : i32
        %dma_start3A_102 = arith.constant 0 : i32
        %dma_start3A_103 = tpu.memref_slice %arg10[%dma_start3A_101, %dma_start3A_102] : memref<10240x16xf32, #tpu.memory_space<vmem_shared>> -> memref<10240x16xf32, #tpu.memory_space<vmem_shared>>
        tpu.enqueue_indirect_dma source(%dma_start3A_97 : memref<1024x16xf32, #tpu.memory_space<vmem>>) target(%dma_start3A_103 : memref<10240x16xf32, #tpu.memory_space<vmem_shared>>) offsets(%dma_start3A_100 : memref<1024xi32, #tpu.memory_space<vmem>>) semaphore(%run_scoped3A_93 : memref<!tpu.dma_semaphore, #tpu.memory_space<semaphore_mem>>) {add = true}
        %dma_wait3A_104 = arith.constant 0 : i32
        %dma_wait3A_105 = arith.constant 0 : i32
        %dma_wait3A_106 = tpu.memref_slice %arg8[%run_scoped3A_91, %dma_wait3A_104, %dma_wait3A_105] : memref<2x1024x16xf32, #tpu.memory_space<vmem>> -> memref<1x1024x16xf32, #tpu.memory_space<vmem>>
        %dma_wait3A_107 = tpu.memref_squeeze %dma_wait3A_106 : memref<1x1024x16xf32, #tpu.memory_space<vmem>> -> memref<1024x16xf32, #tpu.memory_space<vmem>>
        %dma_wait3A_108 = arith.constant 0 : i32
        %dma_wait3A_109 = tpu.memref_slice %arg7[%add3A_72, %dma_wait3A_108] : memref<10x1024xi32, #tpu.memory_space<vmem>> -> memref<1x1024xi32, #tpu.memory_space<vmem>>
        %dma_wait3A_110 = tpu.memref_squeeze %dma_wait3A_109 : memref<1x1024xi32, #tpu.memory_space<vmem>> -> memref<1024xi32, #tpu.memory_space<vmem>>
        %dma_wait3A_111 = arith.constant 0 : i32
        %dma_wait3A_112 = arith.constant 0 : i32
        %dma_wait3A_113 = tpu.memref_slice %arg10[%dma_wait3A_111, %dma_wait3A_112] : memref<10240x16xf32, #tpu.memory_space<vmem_shared>> -> memref<10240x16xf32, #tpu.memory_space<vmem_shared>>
        tpu.wait_indirect_dma semaphore(%run_scoped3A_93 : memref<!tpu.dma_semaphore, #tpu.memory_space<semaphore_mem>>) src(%dma_wait3A_107 : memref<1024x16xf32, #tpu.memory_space<vmem>>) dst(%dma_wait3A_113 : memref<10240x16xf32, #tpu.memory_space<vmem_shared>>)
        tpu.yield
      }) : () -> ()
      %scan3A_92 = arith.constant 0 : i32
      scf.yield %scan3A_92 : i32
    }
    %scan3A_45 = arith.constant 5 : i32
    %barrier3A_46 = arith.constant 0 : index
    tpu.barrier barrier_id(%barrier3A_46)
    %mul3A_47 = arith.constant 640 : i32
    %mul3A_48 = arith.muli %arg1, %mul3A_47 : i32
    %mul3A_49 = arith.constant 640 : i32
    %mul3A_50 = arith.muli %arg1, %mul3A_49 : i32
    "tpu.region"() ({
      %run_scoped3A = tpu.sem_alloc : memref<!tpu.dma_semaphore, #tpu.memory_space<semaphore_mem>>
      %dma_start3A_51 = arith.constant 0 : i32
      %dma_start3A_52 = tpu.memref_slice %arg5[%arg0, %mul3A_50, %dma_start3A_51] : memref<2x10240x16xf32, #tpu.memory_space<hbm>> -> memref<1x640x16xf32, #tpu.memory_space<hbm>>
      %dma_start3A_53 = tpu.memref_squeeze %dma_start3A_52 : memref<1x640x16xf32, #tpu.memory_space<hbm>> -> memref<640x16xf32, #tpu.memory_space<hbm>>
      %dma_start3A_54 = arith.constant 0 : i32
      %dma_start3A_55 = tpu.memref_slice %arg10[%mul3A_48, %dma_start3A_54] : memref<10240x16xf32, #tpu.memory_space<vmem_shared>> -> memref<640x16xf32, #tpu.memory_space<vmem_shared>>
      tpu.enqueue_dma source(%dma_start3A_55 : memref<640x16xf32, #tpu.memory_space<vmem_shared>>) target(%dma_start3A_53 : memref<640x16xf32, #tpu.memory_space<hbm>>) target_semaphore(%run_scoped3A : memref<!tpu.dma_semaphore, #tpu.memory_space<semaphore_mem>>)
      %dma_wait3A = arith.constant 0 : i32
      %dma_wait3A_56 = tpu.memref_slice %arg5[%arg0, %mul3A_50, %dma_wait3A] : memref<2x10240x16xf32, #tpu.memory_space<hbm>> -> memref<1x640x16xf32, #tpu.memory_space<hbm>>
      %dma_wait3A_57 = tpu.memref_squeeze %dma_wait3A_56 : memref<1x640x16xf32, #tpu.memory_space<hbm>> -> memref<640x16xf32, #tpu.memory_space<hbm>>
      %dma_wait3A_58 = arith.constant 0 : i32
      %dma_wait3A_59 = tpu.memref_slice %arg10[%mul3A_48, %dma_wait3A_58] : memref<10240x16xf32, #tpu.memory_space<vmem_shared>> -> memref<640x16xf32, #tpu.memory_space<vmem_shared>>
      tpu.wait_dma2 semaphore(%run_scoped3A : memref<!tpu.dma_semaphore, #tpu.memory_space<semaphore_mem>>) src(%dma_wait3A_59 : memref<640x16xf32, #tpu.memory_space<vmem_shared>>) dst(%dma_wait3A_57 : memref<640x16xf32, #tpu.memory_space<hbm>>)
      tpu.yield
    }) : () -> ()
    return
  }
}

#map = affine_map<(d0, d1) -> (0, 0)>
#map1 = affine_map<(d0, d1) -> (0, 0, 0)>
module attributes {stable_mosaic.version = 14 : i64} {
  func.func @agg_kernel(%arg0: i32, %arg1: i32, %arg2: memref<10000x64xf32, #tpu.memory_space<hbm>>, %arg3: memref<32x40x256xi32, #tpu.memory_space<hbm>>, %arg4: memref<32x40x256xi32, #tpu.memory_space<hbm>>, %arg5: memref<2x10240x64xf32, #tpu.memory_space<hbm>>, %arg6: memref<40x256xi32, #tpu.memory_space<vmem>>, %arg7: memref<40x256xi32, #tpu.memory_space<vmem>>, %arg8: memref<2x256x64xf32, #tpu.memory_space<vmem>>, %arg9: memref<128x64xf32, #tpu.memory_space<vmem>>, %arg10: memref<10240x64xf32, #tpu.memory_space<vmem_shared>>, %arg11: memref<!tpu.dma_semaphore, #tpu.memory_space<semaphore_mem>>, %arg12: memref<!tpu.dma_semaphore, #tpu.memory_space<semaphore_mem>>) attributes {dimension_semantics = [#tpu.dimension_semantics<core_parallel>, #tpu.dimension_semantics<subcore_parallel>], iteration_bounds = array<i64: 2, 16>, scalar_prefetch = 0 : i64, scratch_operands = 7 : i64, tpu.core_type = #tpu.core_type<sc_vector_subcore>, window_params = [{transform_indices = #map}, {transform_indices = #map1}, {transform_indices = #map1}, {transform_indices = #map1}]} {
    %mul3A = arith.constant 16 : i32
    %mul3A_0 = arith.muli %arg0, %mul3A : i32
    %add3A = arith.addi %mul3A_0, %arg1 : i32
    %broadcast_in_dim3A = arith.constant 0.000000e+00 : f32
    %broadcast_in_dim3A_1 = vector.broadcast %broadcast_in_dim3A : f32 to vector<16xf32>
    %scan3A = arith.constant 0 : i32
    %scan3A_2 = arith.constant 0 : i32
    %scan3A_3 = arith.constant 128 : i32
    %scan3A_4 = arith.addi %scan3A_2, %scan3A_3 : i32
    %scan3A_5 = arith.constant 1 : i32
    %scan3A_6 = scf.for %scan3A_51 = %scan3A_2 to %scan3A_4 step %scan3A_5 iter_args(%scan3A_52 = %scan3A) -> (i32)  : i32 {
      %swap3A = arith.index_cast %scan3A_51 : i32 to index
      %swap3A_53 = arith.constant 0 : index
      %swap3A_54 = tpu.vector_load %arg9[%swap3A, %swap3A_53] {strides = array<i32>} : memref<128x64xf32, #tpu.memory_space<vmem>>, vector<1x16xf32>,
      %swap3A_55 = vector.shape_cast %swap3A_54 : vector<1x16xf32> to vector<16xf32>
      %swap3A_56 = vector.shape_cast %broadcast_in_dim3A_1 : vector<16xf32> to vector<1x16xf32>
      tpu.vector_store %arg9[%swap3A, %swap3A_53], %swap3A_56 {strides = array<i32>} : memref<128x64xf32, #tpu.memory_space<vmem>>, vector<1x16xf32>,
      %swap3A_57 = arith.index_cast %scan3A_51 : i32 to index
      %swap3A_58 = arith.constant 16 : index
      %swap3A_59 = tpu.vector_load %arg9[%swap3A_57, %swap3A_58] {strides = array<i32>} : memref<128x64xf32, #tpu.memory_space<vmem>>, vector<1x16xf32>,
      %swap3A_60 = vector.shape_cast %swap3A_59 : vector<1x16xf32> to vector<16xf32>
      %swap3A_61 = vector.shape_cast %broadcast_in_dim3A_1 : vector<16xf32> to vector<1x16xf32>
      tpu.vector_store %arg9[%swap3A_57, %swap3A_58], %swap3A_61 {strides = array<i32>} : memref<128x64xf32, #tpu.memory_space<vmem>>, vector<1x16xf32>,
      %swap3A_62 = arith.index_cast %scan3A_51 : i32 to index
      %swap3A_63 = arith.constant 32 : index
      %swap3A_64 = tpu.vector_load %arg9[%swap3A_62, %swap3A_63] {strides = array<i32>} : memref<128x64xf32, #tpu.memory_space<vmem>>, vector<1x16xf32>,
      %swap3A_65 = vector.shape_cast %swap3A_64 : vector<1x16xf32> to vector<16xf32>
      %swap3A_66 = vector.shape_cast %broadcast_in_dim3A_1 : vector<16xf32> to vector<1x16xf32>
      tpu.vector_store %arg9[%swap3A_62, %swap3A_63], %swap3A_66 {strides = array<i32>} : memref<128x64xf32, #tpu.memory_space<vmem>>, vector<1x16xf32>,
      %swap3A_67 = arith.index_cast %scan3A_51 : i32 to index
      %swap3A_68 = arith.constant 48 : index
      %swap3A_69 = tpu.vector_load %arg9[%swap3A_67, %swap3A_68] {strides = array<i32>} : memref<128x64xf32, #tpu.memory_space<vmem>>, vector<1x16xf32>,
      %swap3A_70 = vector.shape_cast %swap3A_69 : vector<1x16xf32> to vector<16xf32>
      %swap3A_71 = vector.shape_cast %broadcast_in_dim3A_1 : vector<16xf32> to vector<1x16xf32>
      tpu.vector_store %arg9[%swap3A_67, %swap3A_68], %swap3A_71 {strides = array<i32>} : memref<128x64xf32, #tpu.memory_space<vmem>>, vector<1x16xf32>,
      %scan3A_72 = arith.constant 0 : i32
      scf.yield %scan3A_72 : i32
    }
    %scan3A_7 = arith.constant 128 : i32
    %mul3A_8 = arith.constant 640 : i32
    %mul3A_9 = arith.muli %arg1, %mul3A_8 : i32
    %add3A_10 = arith.constant 0 : i32
    %add3A_11 = arith.addi %mul3A_9, %add3A_10 : i32
    "tpu.region"() ({
      %run_scoped3A = tpu.sem_alloc : memref<!tpu.dma_semaphore, #tpu.memory_space<semaphore_mem>>
      %dma_start3A_51 = arith.constant 0 : i32
      %dma_start3A_52 = tpu.memref_slice %arg10[%add3A_11, %dma_start3A_51] : memref<10240x64xf32, #tpu.memory_space<vmem_shared>> -> memref<128x64xf32, #tpu.memory_space<vmem_shared>>
      %dma_start3A_53 = arith.constant 0 : i32
      %dma_start3A_54 = tpu.memref_slice %arg10[%add3A_11, %dma_start3A_53] : memref<10240x64xf32, #tpu.memory_space<vmem_shared>> -> memref<128x64xf32, #tpu.memory_space<vmem_shared>>
      tpu.enqueue_dma source(%arg9 : memref<128x64xf32, #tpu.memory_space<vmem>>) target(%dma_start3A_54 : memref<128x64xf32, #tpu.memory_space<vmem_shared>>) target_semaphore(%run_scoped3A : memref<!tpu.dma_semaphore, #tpu.memory_space<semaphore_mem>>)
      %dma_wait3A = arith.constant 0 : i32
      %dma_wait3A_55 = tpu.memref_slice %arg10[%add3A_11, %dma_wait3A] : memref<10240x64xf32, #tpu.memory_space<vmem_shared>> -> memref<128x64xf32, #tpu.memory_space<vmem_shared>>
      %dma_wait3A_56 = arith.constant 0 : i32
      %dma_wait3A_57 = tpu.memref_slice %arg10[%add3A_11, %dma_wait3A_56] : memref<10240x64xf32, #tpu.memory_space<vmem_shared>> -> memref<128x64xf32, #tpu.memory_space<vmem_shared>>
      tpu.wait_dma2 semaphore(%run_scoped3A : memref<!tpu.dma_semaphore, #tpu.memory_space<semaphore_mem>>) src(%arg9 : memref<128x64xf32, #tpu.memory_space<vmem>>) dst(%dma_wait3A_57 : memref<128x64xf32, #tpu.memory_space<vmem_shared>>)
      tpu.yield
    }) : () -> ()
    %mul3A_12 = arith.constant 640 : i32
    %mul3A_13 = arith.muli %arg1, %mul3A_12 : i32
    %add3A_14 = arith.constant 128 : i32
    %add3A_15 = arith.addi %mul3A_13, %add3A_14 : i32
    "tpu.region"() ({
      %run_scoped3A = tpu.sem_alloc : memref<!tpu.dma_semaphore, #tpu.memory_space<semaphore_mem>>
      %dma_start3A_51 = arith.constant 0 : i32
      %dma_start3A_52 = tpu.memref_slice %arg10[%add3A_15, %dma_start3A_51] : memref<10240x64xf32, #tpu.memory_space<vmem_shared>> -> memref<128x64xf32, #tpu.memory_space<vmem_shared>>
      %dma_start3A_53 = arith.constant 0 : i32
      %dma_start3A_54 = tpu.memref_slice %arg10[%add3A_15, %dma_start3A_53] : memref<10240x64xf32, #tpu.memory_space<vmem_shared>> -> memref<128x64xf32, #tpu.memory_space<vmem_shared>>
      tpu.enqueue_dma source(%arg9 : memref<128x64xf32, #tpu.memory_space<vmem>>) target(%dma_start3A_54 : memref<128x64xf32, #tpu.memory_space<vmem_shared>>) target_semaphore(%run_scoped3A : memref<!tpu.dma_semaphore, #tpu.memory_space<semaphore_mem>>)
      %dma_wait3A = arith.constant 0 : i32
      %dma_wait3A_55 = tpu.memref_slice %arg10[%add3A_15, %dma_wait3A] : memref<10240x64xf32, #tpu.memory_space<vmem_shared>> -> memref<128x64xf32, #tpu.memory_space<vmem_shared>>
      %dma_wait3A_56 = arith.constant 0 : i32
      %dma_wait3A_57 = tpu.memref_slice %arg10[%add3A_15, %dma_wait3A_56] : memref<10240x64xf32, #tpu.memory_space<vmem_shared>> -> memref<128x64xf32, #tpu.memory_space<vmem_shared>>
      tpu.wait_dma2 semaphore(%run_scoped3A : memref<!tpu.dma_semaphore, #tpu.memory_space<semaphore_mem>>) src(%arg9 : memref<128x64xf32, #tpu.memory_space<vmem>>) dst(%dma_wait3A_57 : memref<128x64xf32, #tpu.memory_space<vmem_shared>>)
      tpu.yield
    }) : () -> ()
    %mul3A_16 = arith.constant 640 : i32
    %mul3A_17 = arith.muli %arg1, %mul3A_16 : i32
    %add3A_18 = arith.constant 256 : i32
    %add3A_19 = arith.addi %mul3A_17, %add3A_18 : i32
    "tpu.region"() ({
      %run_scoped3A = tpu.sem_alloc : memref<!tpu.dma_semaphore, #tpu.memory_space<semaphore_mem>>
      %dma_start3A_51 = arith.constant 0 : i32
      %dma_start3A_52 = tpu.memref_slice %arg10[%add3A_19, %dma_start3A_51] : memref<10240x64xf32, #tpu.memory_space<vmem_shared>> -> memref<128x64xf32, #tpu.memory_space<vmem_shared>>
      %dma_start3A_53 = arith.constant 0 : i32
      %dma_start3A_54 = tpu.memref_slice %arg10[%add3A_19, %dma_start3A_53] : memref<10240x64xf32, #tpu.memory_space<vmem_shared>> -> memref<128x64xf32, #tpu.memory_space<vmem_shared>>
      tpu.enqueue_dma source(%arg9 : memref<128x64xf32, #tpu.memory_space<vmem>>) target(%dma_start3A_54 : memref<128x64xf32, #tpu.memory_space<vmem_shared>>) target_semaphore(%run_scoped3A : memref<!tpu.dma_semaphore, #tpu.memory_space<semaphore_mem>>)
      %dma_wait3A = arith.constant 0 : i32
      %dma_wait3A_55 = tpu.memref_slice %arg10[%add3A_19, %dma_wait3A] : memref<10240x64xf32, #tpu.memory_space<vmem_shared>> -> memref<128x64xf32, #tpu.memory_space<vmem_shared>>
      %dma_wait3A_56 = arith.constant 0 : i32
      %dma_wait3A_57 = tpu.memref_slice %arg10[%add3A_19, %dma_wait3A_56] : memref<10240x64xf32, #tpu.memory_space<vmem_shared>> -> memref<128x64xf32, #tpu.memory_space<vmem_shared>>
      tpu.wait_dma2 semaphore(%run_scoped3A : memref<!tpu.dma_semaphore, #tpu.memory_space<semaphore_mem>>) src(%arg9 : memref<128x64xf32, #tpu.memory_space<vmem>>) dst(%dma_wait3A_57 : memref<128x64xf32, #tpu.memory_space<vmem_shared>>)
      tpu.yield
    }) : () -> ()
    %mul3A_20 = arith.constant 640 : i32
    %mul3A_21 = arith.muli %arg1, %mul3A_20 : i32
    %add3A_22 = arith.constant 384 : i32
    %add3A_23 = arith.addi %mul3A_21, %add3A_22 : i32
    "tpu.region"() ({
      %run_scoped3A = tpu.sem_alloc : memref<!tpu.dma_semaphore, #tpu.memory_space<semaphore_mem>>
      %dma_start3A_51 = arith.constant 0 : i32
      %dma_start3A_52 = tpu.memref_slice %arg10[%add3A_23, %dma_start3A_51] : memref<10240x64xf32, #tpu.memory_space<vmem_shared>> -> memref<128x64xf32, #tpu.memory_space<vmem_shared>>
      %dma_start3A_53 = arith.constant 0 : i32
      %dma_start3A_54 = tpu.memref_slice %arg10[%add3A_23, %dma_start3A_53] : memref<10240x64xf32, #tpu.memory_space<vmem_shared>> -> memref<128x64xf32, #tpu.memory_space<vmem_shared>>
      tpu.enqueue_dma source(%arg9 : memref<128x64xf32, #tpu.memory_space<vmem>>) target(%dma_start3A_54 : memref<128x64xf32, #tpu.memory_space<vmem_shared>>) target_semaphore(%run_scoped3A : memref<!tpu.dma_semaphore, #tpu.memory_space<semaphore_mem>>)
      %dma_wait3A = arith.constant 0 : i32
      %dma_wait3A_55 = tpu.memref_slice %arg10[%add3A_23, %dma_wait3A] : memref<10240x64xf32, #tpu.memory_space<vmem_shared>> -> memref<128x64xf32, #tpu.memory_space<vmem_shared>>
      %dma_wait3A_56 = arith.constant 0 : i32
      %dma_wait3A_57 = tpu.memref_slice %arg10[%add3A_23, %dma_wait3A_56] : memref<10240x64xf32, #tpu.memory_space<vmem_shared>> -> memref<128x64xf32, #tpu.memory_space<vmem_shared>>
      tpu.wait_dma2 semaphore(%run_scoped3A : memref<!tpu.dma_semaphore, #tpu.memory_space<semaphore_mem>>) src(%arg9 : memref<128x64xf32, #tpu.memory_space<vmem>>) dst(%dma_wait3A_57 : memref<128x64xf32, #tpu.memory_space<vmem_shared>>)
      tpu.yield
    }) : () -> ()
    %mul3A_24 = arith.constant 640 : i32
    %mul3A_25 = arith.muli %arg1, %mul3A_24 : i32
    %add3A_26 = arith.constant 512 : i32
    %add3A_27 = arith.addi %mul3A_25, %add3A_26 : i32
    "tpu.region"() ({
      %run_scoped3A = tpu.sem_alloc : memref<!tpu.dma_semaphore, #tpu.memory_space<semaphore_mem>>
      %dma_start3A_51 = arith.constant 0 : i32
      %dma_start3A_52 = tpu.memref_slice %arg10[%add3A_27, %dma_start3A_51] : memref<10240x64xf32, #tpu.memory_space<vmem_shared>> -> memref<128x64xf32, #tpu.memory_space<vmem_shared>>
      %dma_start3A_53 = arith.constant 0 : i32
      %dma_start3A_54 = tpu.memref_slice %arg10[%add3A_27, %dma_start3A_53] : memref<10240x64xf32, #tpu.memory_space<vmem_shared>> -> memref<128x64xf32, #tpu.memory_space<vmem_shared>>
      tpu.enqueue_dma source(%arg9 : memref<128x64xf32, #tpu.memory_space<vmem>>) target(%dma_start3A_54 : memref<128x64xf32, #tpu.memory_space<vmem_shared>>) target_semaphore(%run_scoped3A : memref<!tpu.dma_semaphore, #tpu.memory_space<semaphore_mem>>)
      %dma_wait3A = arith.constant 0 : i32
      %dma_wait3A_55 = tpu.memref_slice %arg10[%add3A_27, %dma_wait3A] : memref<10240x64xf32, #tpu.memory_space<vmem_shared>> -> memref<128x64xf32, #tpu.memory_space<vmem_shared>>
      %dma_wait3A_56 = arith.constant 0 : i32
      %dma_wait3A_57 = tpu.memref_slice %arg10[%add3A_27, %dma_wait3A_56] : memref<10240x64xf32, #tpu.memory_space<vmem_shared>> -> memref<128x64xf32, #tpu.memory_space<vmem_shared>>
      tpu.wait_dma2 semaphore(%run_scoped3A : memref<!tpu.dma_semaphore, #tpu.memory_space<semaphore_mem>>) src(%arg9 : memref<128x64xf32, #tpu.memory_space<vmem>>) dst(%dma_wait3A_57 : memref<128x64xf32, #tpu.memory_space<vmem_shared>>)
      tpu.yield
    }) : () -> ()
    %barrier3A = arith.constant 0 : index
    tpu.barrier barrier_id(%barrier3A)
    "tpu.region"() ({
      %run_scoped3A = tpu.sem_alloc : memref<!tpu.dma_semaphore, #tpu.memory_space<semaphore_mem>>
      %dma_start3A_51 = arith.constant 0 : i32
      %dma_start3A_52 = arith.constant 0 : i32
      %dma_start3A_53 = tpu.memref_slice %arg3[%add3A, %dma_start3A_51, %dma_start3A_52] : memref<32x40x256xi32, #tpu.memory_space<hbm>> -> memref<1x40x256xi32, #tpu.memory_space<hbm>>
      %dma_start3A_54 = tpu.memref_squeeze %dma_start3A_53 : memref<1x40x256xi32, #tpu.memory_space<hbm>> -> memref<40x256xi32, #tpu.memory_space<hbm>>
      %dma_start3A_55 = arith.constant 0 : i32
      %dma_start3A_56 = arith.constant 0 : i32
      %dma_start3A_57 = tpu.memref_slice %arg3[%add3A, %dma_start3A_55, %dma_start3A_56] : memref<32x40x256xi32, #tpu.memory_space<hbm>> -> memref<1x40x256xi32, #tpu.memory_space<hbm>>
      %dma_start3A_58 = tpu.memref_squeeze %dma_start3A_57 : memref<1x40x256xi32, #tpu.memory_space<hbm>> -> memref<40x256xi32, #tpu.memory_space<hbm>>
      tpu.enqueue_dma source(%dma_start3A_58 : memref<40x256xi32, #tpu.memory_space<hbm>>) target(%arg6 : memref<40x256xi32, #tpu.memory_space<vmem>>) target_semaphore(%run_scoped3A : memref<!tpu.dma_semaphore, #tpu.memory_space<semaphore_mem>>)
      %dma_wait3A = arith.constant 0 : i32
      %dma_wait3A_59 = arith.constant 0 : i32
      %dma_wait3A_60 = tpu.memref_slice %arg3[%add3A, %dma_wait3A, %dma_wait3A_59] : memref<32x40x256xi32, #tpu.memory_space<hbm>> -> memref<1x40x256xi32, #tpu.memory_space<hbm>>
      %dma_wait3A_61 = tpu.memref_squeeze %dma_wait3A_60 : memref<1x40x256xi32, #tpu.memory_space<hbm>> -> memref<40x256xi32, #tpu.memory_space<hbm>>
      %dma_wait3A_62 = arith.constant 0 : i32
      %dma_wait3A_63 = arith.constant 0 : i32
      %dma_wait3A_64 = tpu.memref_slice %arg3[%add3A, %dma_wait3A_62, %dma_wait3A_63] : memref<32x40x256xi32, #tpu.memory_space<hbm>> -> memref<1x40x256xi32, #tpu.memory_space<hbm>>
      %dma_wait3A_65 = tpu.memref_squeeze %dma_wait3A_64 : memref<1x40x256xi32, #tpu.memory_space<hbm>> -> memref<40x256xi32, #tpu.memory_space<hbm>>
      tpu.wait_dma2 semaphore(%run_scoped3A : memref<!tpu.dma_semaphore, #tpu.memory_space<semaphore_mem>>) src(%dma_wait3A_65 : memref<40x256xi32, #tpu.memory_space<hbm>>) dst(%arg6 : memref<40x256xi32, #tpu.memory_space<vmem>>)
      tpu.yield
    }) : () -> ()
    "tpu.region"() ({
      %run_scoped3A = tpu.sem_alloc : memref<!tpu.dma_semaphore, #tpu.memory_space<semaphore_mem>>
      %dma_start3A_51 = arith.constant 0 : i32
      %dma_start3A_52 = arith.constant 0 : i32
      %dma_start3A_53 = tpu.memref_slice %arg4[%add3A, %dma_start3A_51, %dma_start3A_52] : memref<32x40x256xi32, #tpu.memory_space<hbm>> -> memref<1x40x256xi32, #tpu.memory_space<hbm>>
      %dma_start3A_54 = tpu.memref_squeeze %dma_start3A_53 : memref<1x40x256xi32, #tpu.memory_space<hbm>> -> memref<40x256xi32, #tpu.memory_space<hbm>>
      %dma_start3A_55 = arith.constant 0 : i32
      %dma_start3A_56 = arith.constant 0 : i32
      %dma_start3A_57 = tpu.memref_slice %arg4[%add3A, %dma_start3A_55, %dma_start3A_56] : memref<32x40x256xi32, #tpu.memory_space<hbm>> -> memref<1x40x256xi32, #tpu.memory_space<hbm>>
      %dma_start3A_58 = tpu.memref_squeeze %dma_start3A_57 : memref<1x40x256xi32, #tpu.memory_space<hbm>> -> memref<40x256xi32, #tpu.memory_space<hbm>>
      tpu.enqueue_dma source(%dma_start3A_58 : memref<40x256xi32, #tpu.memory_space<hbm>>) target(%arg7 : memref<40x256xi32, #tpu.memory_space<vmem>>) target_semaphore(%run_scoped3A : memref<!tpu.dma_semaphore, #tpu.memory_space<semaphore_mem>>)
      %dma_wait3A = arith.constant 0 : i32
      %dma_wait3A_59 = arith.constant 0 : i32
      %dma_wait3A_60 = tpu.memref_slice %arg4[%add3A, %dma_wait3A, %dma_wait3A_59] : memref<32x40x256xi32, #tpu.memory_space<hbm>> -> memref<1x40x256xi32, #tpu.memory_space<hbm>>
      %dma_wait3A_61 = tpu.memref_squeeze %dma_wait3A_60 : memref<1x40x256xi32, #tpu.memory_space<hbm>> -> memref<40x256xi32, #tpu.memory_space<hbm>>
      %dma_wait3A_62 = arith.constant 0 : i32
      %dma_wait3A_63 = arith.constant 0 : i32
      %dma_wait3A_64 = tpu.memref_slice %arg4[%add3A, %dma_wait3A_62, %dma_wait3A_63] : memref<32x40x256xi32, #tpu.memory_space<hbm>> -> memref<1x40x256xi32, #tpu.memory_space<hbm>>
      %dma_wait3A_65 = tpu.memref_squeeze %dma_wait3A_64 : memref<1x40x256xi32, #tpu.memory_space<hbm>> -> memref<40x256xi32, #tpu.memory_space<hbm>>
      tpu.wait_dma2 semaphore(%run_scoped3A : memref<!tpu.dma_semaphore, #tpu.memory_space<semaphore_mem>>) src(%dma_wait3A_65 : memref<40x256xi32, #tpu.memory_space<hbm>>) dst(%arg7 : memref<40x256xi32, #tpu.memory_space<vmem>>)
      tpu.yield
    }) : () -> ()
    %dma_start3A = arith.constant 0 : i32
    %dma_start3A_28 = arith.constant 0 : i32
    %dma_start3A_29 = arith.constant 0 : i32
    %dma_start3A_30 = arith.constant 0 : i32
    %dma_start3A_31 = tpu.memref_slice %arg8[%dma_start3A_28, %dma_start3A_29, %dma_start3A_30] : memref<2x256x64xf32, #tpu.memory_space<vmem>> -> memref<1x256x64xf32, #tpu.memory_space<vmem>>
    %dma_start3A_32 = tpu.memref_squeeze %dma_start3A_31 : memref<1x256x64xf32, #tpu.memory_space<vmem>> -> memref<256x64xf32, #tpu.memory_space<vmem>>
    %dma_start3A_33 = arith.constant 0 : i32
    %dma_start3A_34 = tpu.memref_slice %arg6[%dma_start3A, %dma_start3A_33] : memref<40x256xi32, #tpu.memory_space<vmem>> -> memref<1x256xi32, #tpu.memory_space<vmem>>
    %dma_start3A_35 = tpu.memref_squeeze %dma_start3A_34 : memref<1x256xi32, #tpu.memory_space<vmem>> -> memref<256xi32, #tpu.memory_space<vmem>>
    %dma_start3A_36 = arith.constant 0 : i32
    %dma_start3A_37 = arith.constant 0 : i32
    %dma_start3A_38 = tpu.memref_slice %arg2[%dma_start3A_36, %dma_start3A_37] : memref<10000x64xf32, #tpu.memory_space<hbm>> -> memref<10000x64xf32, #tpu.memory_space<hbm>>
    tpu.enqueue_indirect_dma source(%dma_start3A_38 : memref<10000x64xf32, #tpu.memory_space<hbm>>) target(%dma_start3A_32 : memref<256x64xf32, #tpu.memory_space<vmem>>) offsets(%dma_start3A_35 : memref<256xi32, #tpu.memory_space<vmem>>) semaphore(%arg11 : memref<!tpu.dma_semaphore, #tpu.memory_space<semaphore_mem>>)
    %scan3A_39 = arith.constant 0 : i32
    %scan3A_40 = arith.constant 0 : i32
    %scan3A_41 = arith.constant 20 : i32
    %scan3A_42 = arith.addi %scan3A_40, %scan3A_41 : i32
    %scan3A_43 = arith.constant 1 : i32
    %scan3A_44 = scf.for %scan3A_51 = %scan3A_40 to %scan3A_42 step %scan3A_43 iter_args(%scan3A_52 = %scan3A_39) -> (i32)  : i32 {
      %mul3A_53 = arith.constant 2 : i32
      %mul3A_54 = arith.muli %scan3A_51, %mul3A_53 : i32
      %add3A_55 = arith.constant 0 : i32
      %add3A_56 = arith.addi %mul3A_54, %add3A_55 : i32
      %add3A_57 = arith.constant 1 : i32
      %add3A_58 = arith.addi %add3A_56, %add3A_57 : i32
      %lt3A = arith.constant 40 : i32
      %lt3A_59 = arith.cmpi slt, %add3A_58, %lt3A : i32
      %convert_element_type3A = arith.extui %lt3A_59 : i1 to i32
      %cond3A = arith.constant 0 : i32
      %cond3A_60 = arith.cmpi ne, %convert_element_type3A, %cond3A : i32
      scf.if %cond3A_60 {
        %dma_start3A_93 = arith.constant 1 : i32
        %dma_start3A_94 = arith.constant 0 : i32
        %dma_start3A_95 = arith.constant 0 : i32
        %dma_start3A_96 = tpu.memref_slice %arg8[%dma_start3A_93, %dma_start3A_94, %dma_start3A_95] : memref<2x256x64xf32, #tpu.memory_space<vmem>> -> memref<1x256x64xf32, #tpu.memory_space<vmem>>
        %dma_start3A_97 = tpu.memref_squeeze %dma_start3A_96 : memref<1x256x64xf32, #tpu.memory_space<vmem>> -> memref<256x64xf32, #tpu.memory_space<vmem>>
        %dma_start3A_98 = arith.constant 0 : i32
        %dma_start3A_99 = tpu.memref_slice %arg6[%add3A_58, %dma_start3A_98] : memref<40x256xi32, #tpu.memory_space<vmem>> -> memref<1x256xi32, #tpu.memory_space<vmem>>
        %dma_start3A_100 = tpu.memref_squeeze %dma_start3A_99 : memref<1x256xi32, #tpu.memory_space<vmem>> -> memref<256xi32, #tpu.memory_space<vmem>>
        %dma_start3A_101 = arith.constant 0 : i32
        %dma_start3A_102 = arith.constant 0 : i32
        %dma_start3A_103 = tpu.memref_slice %arg2[%dma_start3A_101, %dma_start3A_102] : memref<10000x64xf32, #tpu.memory_space<hbm>> -> memref<10000x64xf32, #tpu.memory_space<hbm>>
        tpu.enqueue_indirect_dma source(%dma_start3A_103 : memref<10000x64xf32, #tpu.memory_space<hbm>>) target(%dma_start3A_97 : memref<256x64xf32, #tpu.memory_space<vmem>>) offsets(%dma_start3A_100 : memref<256xi32, #tpu.memory_space<vmem>>) semaphore(%arg12 : memref<!tpu.dma_semaphore, #tpu.memory_space<semaphore_mem>>)
      } else {
      }
      %dma_wait3A = arith.constant 0 : i32
      %dma_wait3A_61 = arith.constant 0 : i32
      %dma_wait3A_62 = arith.constant 0 : i32
      %dma_wait3A_63 = tpu.memref_slice %arg8[%dma_wait3A, %dma_wait3A_61, %dma_wait3A_62] : memref<2x256x64xf32, #tpu.memory_space<vmem>> -> memref<1x256x64xf32, #tpu.memory_space<vmem>>
      %dma_wait3A_64 = tpu.memref_squeeze %dma_wait3A_63 : memref<1x256x64xf32, #tpu.memory_space<vmem>> -> memref<256x64xf32, #tpu.memory_space<vmem>>
      %dma_wait3A_65 = arith.constant 0 : i32
      %dma_wait3A_66 = tpu.memref_slice %arg6[%add3A_56, %dma_wait3A_65] : memref<40x256xi32, #tpu.memory_space<vmem>> -> memref<1x256xi32, #tpu.memory_space<vmem>>
      %dma_wait3A_67 = tpu.memref_squeeze %dma_wait3A_66 : memref<1x256xi32, #tpu.memory_space<vmem>> -> memref<256xi32, #tpu.memory_space<vmem>>
      %dma_wait3A_68 = arith.constant 0 : i32
      %dma_wait3A_69 = arith.constant 0 : i32
      %dma_wait3A_70 = tpu.memref_slice %arg2[%dma_wait3A_68, %dma_wait3A_69] : memref<10000x64xf32, #tpu.memory_space<hbm>> -> memref<10000x64xf32, #tpu.memory_space<hbm>>
      tpu.wait_indirect_dma semaphore(%arg11 : memref<!tpu.dma_semaphore, #tpu.memory_space<semaphore_mem>>) src(%dma_wait3A_70 : memref<10000x64xf32, #tpu.memory_space<hbm>>) dst(%dma_wait3A_64 : memref<256x64xf32, #tpu.memory_space<vmem>>)
      %run_scoped3A = arith.constant 0 : i32
      "tpu.region"() ({
        %run_scoped3A_93 = tpu.sem_alloc : memref<!tpu.dma_semaphore, #tpu.memory_space<semaphore_mem>>
        %dma_start3A_94 = arith.constant 0 : i32
        %dma_start3A_95 = arith.constant 0 : i32
        %dma_start3A_96 = tpu.memref_slice %arg8[%run_scoped3A, %dma_start3A_94, %dma_start3A_95] : memref<2x256x64xf32, #tpu.memory_space<vmem>> -> memref<1x256x64xf32, #tpu.memory_space<vmem>>
        %dma_start3A_97 = tpu.memref_squeeze %dma_start3A_96 : memref<1x256x64xf32, #tpu.memory_space<vmem>> -> memref<256x64xf32, #tpu.memory_space<vmem>>
        %dma_start3A_98 = arith.constant 0 : i32
        %dma_start3A_99 = tpu.memref_slice %arg7[%add3A_56, %dma_start3A_98] : memref<40x256xi32, #tpu.memory_space<vmem>> -> memref<1x256xi32, #tpu.memory_space<vmem>>
        %dma_start3A_100 = tpu.memref_squeeze %dma_start3A_99 : memref<1x256xi32, #tpu.memory_space<vmem>> -> memref<256xi32, #tpu.memory_space<vmem>>
        %dma_start3A_101 = arith.constant 0 : i32
        %dma_start3A_102 = arith.constant 0 : i32
        %dma_start3A_103 = tpu.memref_slice %arg10[%dma_start3A_101, %dma_start3A_102] : memref<10240x64xf32, #tpu.memory_space<vmem_shared>> -> memref<10240x64xf32, #tpu.memory_space<vmem_shared>>
        tpu.enqueue_indirect_dma source(%dma_start3A_97 : memref<256x64xf32, #tpu.memory_space<vmem>>) target(%dma_start3A_103 : memref<10240x64xf32, #tpu.memory_space<vmem_shared>>) offsets(%dma_start3A_100 : memref<256xi32, #tpu.memory_space<vmem>>) semaphore(%run_scoped3A_93 : memref<!tpu.dma_semaphore, #tpu.memory_space<semaphore_mem>>) {add = true}
        %dma_wait3A_104 = arith.constant 0 : i32
        %dma_wait3A_105 = arith.constant 0 : i32
        %dma_wait3A_106 = tpu.memref_slice %arg8[%run_scoped3A, %dma_wait3A_104, %dma_wait3A_105] : memref<2x256x64xf32, #tpu.memory_space<vmem>> -> memref<1x256x64xf32, #tpu.memory_space<vmem>>
        %dma_wait3A_107 = tpu.memref_squeeze %dma_wait3A_106 : memref<1x256x64xf32, #tpu.memory_space<vmem>> -> memref<256x64xf32, #tpu.memory_space<vmem>>
        %dma_wait3A_108 = arith.constant 0 : i32
        %dma_wait3A_109 = tpu.memref_slice %arg7[%add3A_56, %dma_wait3A_108] : memref<40x256xi32, #tpu.memory_space<vmem>> -> memref<1x256xi32, #tpu.memory_space<vmem>>
        %dma_wait3A_110 = tpu.memref_squeeze %dma_wait3A_109 : memref<1x256xi32, #tpu.memory_space<vmem>> -> memref<256xi32, #tpu.memory_space<vmem>>
        %dma_wait3A_111 = arith.constant 0 : i32
        %dma_wait3A_112 = arith.constant 0 : i32
        %dma_wait3A_113 = tpu.memref_slice %arg10[%dma_wait3A_111, %dma_wait3A_112] : memref<10240x64xf32, #tpu.memory_space<vmem_shared>> -> memref<10240x64xf32, #tpu.memory_space<vmem_shared>>
        tpu.wait_indirect_dma semaphore(%run_scoped3A_93 : memref<!tpu.dma_semaphore, #tpu.memory_space<semaphore_mem>>) src(%dma_wait3A_107 : memref<256x64xf32, #tpu.memory_space<vmem>>) dst(%dma_wait3A_113 : memref<10240x64xf32, #tpu.memory_space<vmem_shared>>)
        tpu.yield
      }) : () -> ()
      %add3A_71 = arith.constant 1 : i32
      %add3A_72 = arith.addi %mul3A_54, %add3A_71 : i32
      %add3A_73 = arith.constant 1 : i32
      %add3A_74 = arith.addi %add3A_72, %add3A_73 : i32
      %lt3A_75 = arith.constant 40 : i32
      %lt3A_76 = arith.cmpi slt, %add3A_74, %lt3A_75 : i32
      %convert_element_type3A_77 = arith.extui %lt3A_76 : i1 to i32
      %cond3A_78 = arith.constant 0 : i32
      %cond3A_79 = arith.cmpi ne, %convert_element_type3A_77, %cond3A_78 : i32
      scf.if %cond3A_79 {
        %dma_start3A_93 = arith.constant 0 : i32
        %dma_start3A_94 = arith.constant 0 : i32
        %dma_start3A_95 = arith.constant 0 : i32
        %dma_start3A_96 = tpu.memref_slice %arg8[%dma_start3A_93, %dma_start3A_94, %dma_start3A_95] : memref<2x256x64xf32, #tpu.memory_space<vmem>> -> memref<1x256x64xf32, #tpu.memory_space<vmem>>
        %dma_start3A_97 = tpu.memref_squeeze %dma_start3A_96 : memref<1x256x64xf32, #tpu.memory_space<vmem>> -> memref<256x64xf32, #tpu.memory_space<vmem>>
        %dma_start3A_98 = arith.constant 0 : i32
        %dma_start3A_99 = tpu.memref_slice %arg6[%add3A_74, %dma_start3A_98] : memref<40x256xi32, #tpu.memory_space<vmem>> -> memref<1x256xi32, #tpu.memory_space<vmem>>
        %dma_start3A_100 = tpu.memref_squeeze %dma_start3A_99 : memref<1x256xi32, #tpu.memory_space<vmem>> -> memref<256xi32, #tpu.memory_space<vmem>>
        %dma_start3A_101 = arith.constant 0 : i32
        %dma_start3A_102 = arith.constant 0 : i32
        %dma_start3A_103 = tpu.memref_slice %arg2[%dma_start3A_101, %dma_start3A_102] : memref<10000x64xf32, #tpu.memory_space<hbm>> -> memref<10000x64xf32, #tpu.memory_space<hbm>>
        tpu.enqueue_indirect_dma source(%dma_start3A_103 : memref<10000x64xf32, #tpu.memory_space<hbm>>) target(%dma_start3A_97 : memref<256x64xf32, #tpu.memory_space<vmem>>) offsets(%dma_start3A_100 : memref<256xi32, #tpu.memory_space<vmem>>) semaphore(%arg11 : memref<!tpu.dma_semaphore, #tpu.memory_space<semaphore_mem>>)
      } else {
      }
      %dma_wait3A_80 = arith.constant 1 : i32
      %dma_wait3A_81 = arith.constant 0 : i32
      %dma_wait3A_82 = arith.constant 0 : i32
      %dma_wait3A_83 = tpu.memref_slice %arg8[%dma_wait3A_80, %dma_wait3A_81, %dma_wait3A_82] : memref<2x256x64xf32, #tpu.memory_space<vmem>> -> memref<1x256x64xf32, #tpu.memory_space<vmem>>
      %dma_wait3A_84 = tpu.memref_squeeze %dma_wait3A_83 : memref<1x256x64xf32, #tpu.memory_space<vmem>> -> memref<256x64xf32, #tpu.memory_space<vmem>>
      %dma_wait3A_85 = arith.constant 0 : i32
      %dma_wait3A_86 = tpu.memref_slice %arg6[%add3A_72, %dma_wait3A_85] : memref<40x256xi32, #tpu.memory_space<vmem>> -> memref<1x256xi32, #tpu.memory_space<vmem>>
      %dma_wait3A_87 = tpu.memref_squeeze %dma_wait3A_86 : memref<1x256xi32, #tpu.memory_space<vmem>> -> memref<256xi32, #tpu.memory_space<vmem>>
      %dma_wait3A_88 = arith.constant 0 : i32
      %dma_wait3A_89 = arith.constant 0 : i32
      %dma_wait3A_90 = tpu.memref_slice %arg2[%dma_wait3A_88, %dma_wait3A_89] : memref<10000x64xf32, #tpu.memory_space<hbm>> -> memref<10000x64xf32, #tpu.memory_space<hbm>>
      tpu.wait_indirect_dma semaphore(%arg12 : memref<!tpu.dma_semaphore, #tpu.memory_space<semaphore_mem>>) src(%dma_wait3A_90 : memref<10000x64xf32, #tpu.memory_space<hbm>>) dst(%dma_wait3A_84 : memref<256x64xf32, #tpu.memory_space<vmem>>)
      %run_scoped3A_91 = arith.constant 1 : i32
      "tpu.region"() ({
        %run_scoped3A_93 = tpu.sem_alloc : memref<!tpu.dma_semaphore, #tpu.memory_space<semaphore_mem>>
        %dma_start3A_94 = arith.constant 0 : i32
        %dma_start3A_95 = arith.constant 0 : i32
        %dma_start3A_96 = tpu.memref_slice %arg8[%run_scoped3A_91, %dma_start3A_94, %dma_start3A_95] : memref<2x256x64xf32, #tpu.memory_space<vmem>> -> memref<1x256x64xf32, #tpu.memory_space<vmem>>
        %dma_start3A_97 = tpu.memref_squeeze %dma_start3A_96 : memref<1x256x64xf32, #tpu.memory_space<vmem>> -> memref<256x64xf32, #tpu.memory_space<vmem>>
        %dma_start3A_98 = arith.constant 0 : i32
        %dma_start3A_99 = tpu.memref_slice %arg7[%add3A_72, %dma_start3A_98] : memref<40x256xi32, #tpu.memory_space<vmem>> -> memref<1x256xi32, #tpu.memory_space<vmem>>
        %dma_start3A_100 = tpu.memref_squeeze %dma_start3A_99 : memref<1x256xi32, #tpu.memory_space<vmem>> -> memref<256xi32, #tpu.memory_space<vmem>>
        %dma_start3A_101 = arith.constant 0 : i32
        %dma_start3A_102 = arith.constant 0 : i32
        %dma_start3A_103 = tpu.memref_slice %arg10[%dma_start3A_101, %dma_start3A_102] : memref<10240x64xf32, #tpu.memory_space<vmem_shared>> -> memref<10240x64xf32, #tpu.memory_space<vmem_shared>>
        tpu.enqueue_indirect_dma source(%dma_start3A_97 : memref<256x64xf32, #tpu.memory_space<vmem>>) target(%dma_start3A_103 : memref<10240x64xf32, #tpu.memory_space<vmem_shared>>) offsets(%dma_start3A_100 : memref<256xi32, #tpu.memory_space<vmem>>) semaphore(%run_scoped3A_93 : memref<!tpu.dma_semaphore, #tpu.memory_space<semaphore_mem>>) {add = true}
        %dma_wait3A_104 = arith.constant 0 : i32
        %dma_wait3A_105 = arith.constant 0 : i32
        %dma_wait3A_106 = tpu.memref_slice %arg8[%run_scoped3A_91, %dma_wait3A_104, %dma_wait3A_105] : memref<2x256x64xf32, #tpu.memory_space<vmem>> -> memref<1x256x64xf32, #tpu.memory_space<vmem>>
        %dma_wait3A_107 = tpu.memref_squeeze %dma_wait3A_106 : memref<1x256x64xf32, #tpu.memory_space<vmem>> -> memref<256x64xf32, #tpu.memory_space<vmem>>
        %dma_wait3A_108 = arith.constant 0 : i32
        %dma_wait3A_109 = tpu.memref_slice %arg7[%add3A_72, %dma_wait3A_108] : memref<40x256xi32, #tpu.memory_space<vmem>> -> memref<1x256xi32, #tpu.memory_space<vmem>>
        %dma_wait3A_110 = tpu.memref_squeeze %dma_wait3A_109 : memref<1x256xi32, #tpu.memory_space<vmem>> -> memref<256xi32, #tpu.memory_space<vmem>>
        %dma_wait3A_111 = arith.constant 0 : i32
        %dma_wait3A_112 = arith.constant 0 : i32
        %dma_wait3A_113 = tpu.memref_slice %arg10[%dma_wait3A_111, %dma_wait3A_112] : memref<10240x64xf32, #tpu.memory_space<vmem_shared>> -> memref<10240x64xf32, #tpu.memory_space<vmem_shared>>
        tpu.wait_indirect_dma semaphore(%run_scoped3A_93 : memref<!tpu.dma_semaphore, #tpu.memory_space<semaphore_mem>>) src(%dma_wait3A_107 : memref<256x64xf32, #tpu.memory_space<vmem>>) dst(%dma_wait3A_113 : memref<10240x64xf32, #tpu.memory_space<vmem_shared>>)
        tpu.yield
      }) : () -> ()
      %scan3A_92 = arith.constant 0 : i32
      scf.yield %scan3A_92 : i32
    }
    %scan3A_45 = arith.constant 20 : i32
    %barrier3A_46 = arith.constant 0 : index
    tpu.barrier barrier_id(%barrier3A_46)
    %mul3A_47 = arith.constant 640 : i32
    %mul3A_48 = arith.muli %arg1, %mul3A_47 : i32
    %mul3A_49 = arith.constant 640 : i32
    %mul3A_50 = arith.muli %arg1, %mul3A_49 : i32
    "tpu.region"() ({
      %run_scoped3A = tpu.sem_alloc : memref<!tpu.dma_semaphore, #tpu.memory_space<semaphore_mem>>
      %dma_start3A_51 = arith.constant 0 : i32
      %dma_start3A_52 = tpu.memref_slice %arg5[%arg0, %mul3A_50, %dma_start3A_51] : memref<2x10240x64xf32, #tpu.memory_space<hbm>> -> memref<1x640x64xf32, #tpu.memory_space<hbm>>
      %dma_start3A_53 = tpu.memref_squeeze %dma_start3A_52 : memref<1x640x64xf32, #tpu.memory_space<hbm>> -> memref<640x64xf32, #tpu.memory_space<hbm>>
      %dma_start3A_54 = arith.constant 0 : i32
      %dma_start3A_55 = tpu.memref_slice %arg10[%mul3A_48, %dma_start3A_54] : memref<10240x64xf32, #tpu.memory_space<vmem_shared>> -> memref<640x64xf32, #tpu.memory_space<vmem_shared>>
      tpu.enqueue_dma source(%dma_start3A_55 : memref<640x64xf32, #tpu.memory_space<vmem_shared>>) target(%dma_start3A_53 : memref<640x64xf32, #tpu.memory_space<hbm>>) target_semaphore(%run_scoped3A : memref<!tpu.dma_semaphore, #tpu.memory_space<semaphore_mem>>)
      %dma_wait3A = arith.constant 0 : i32
      %dma_wait3A_56 = tpu.memref_slice %arg5[%arg0, %mul3A_50, %dma_wait3A] : memref<2x10240x64xf32, #tpu.memory_space<hbm>> -> memref<1x640x64xf32, #tpu.memory_space<hbm>>
      %dma_wait3A_57 = tpu.memref_squeeze %dma_wait3A_56 : memref<1x640x64xf32, #tpu.memory_space<hbm>> -> memref<640x64xf32, #tpu.memory_space<hbm>>
      %dma_wait3A_58 = arith.constant 0 : i32
      %dma_wait3A_59 = tpu.memref_slice %arg10[%mul3A_48, %dma_wait3A_58] : memref<10240x64xf32, #tpu.memory_space<vmem_shared>> -> memref<640x64xf32, #tpu.memory_space<vmem_shared>>
      tpu.wait_dma2 semaphore(%run_scoped3A : memref<!tpu.dma_semaphore, #tpu.memory_space<semaphore_mem>>) src(%dma_wait3A_59 : memref<640x64xf32, #tpu.memory_space<vmem_shared>>) dst(%dma_wait3A_57 : memref<640x64xf32, #tpu.memory_space<hbm>>)
      tpu.yield
    }) : () -> ()
    return
  }
}

module attributes {stable_mosaic.version = 14 : i64} {
  func.func @_tc_scale_matmul(%arg0: memref<10000x128xf32, #tpu.memory_space<vmem>>, %arg1: memref<128x64xf32, #tpu.memory_space<vmem>>, %arg2: memref<2x10240x16xf32, #tpu.memory_space<vmem>>, %arg3: memref<10000x64xf32, #tpu.memory_space<vmem>>, %arg4: memref<10000x16xf32, #tpu.memory_space<vmem>>) attributes {dimension_semantics = [], scalar_prefetch = 0 : i64, scratch_operands = 0 : i64, tpu.core_type = #tpu.core_type<tc>} {
    %get3A = arith.constant 0 : index
    %get3A_0 = arith.constant 0 : index
    %get3A_1 = arith.constant 0 : index
    %get3A_2 = vector.load %arg2[%get3A, %get3A_0, %get3A_1] : memref<2x10240x16xf32, #tpu.memory_space<vmem>>, vector<1x10000x16xf32>
    %get3A_3 = vector.shape_cast %get3A_2 : vector<1x10000x16xf32> to vector<10000x16xf32>
    %get3A_4 = arith.constant 1 : index
    %get3A_5 = arith.constant 0 : index
    %get3A_6 = arith.constant 0 : index
    %get3A_7 = vector.load %arg2[%get3A_4, %get3A_5, %get3A_6] : memref<2x10240x16xf32, #tpu.memory_space<vmem>>, vector<1x10000x16xf32>
    %get3A_8 = vector.shape_cast %get3A_7 : vector<1x10000x16xf32> to vector<10000x16xf32>
    %add3A = arith.addf %get3A_3, %get3A_8 : vector<10000x16xf32>
    %add3A_9 = arith.constant 1.000000e+00 : f32
    %add3A_10 = vector.broadcast %add3A_9 : f32 to vector<10000x16xf32>
    %add3A_11 = arith.addf %add3A, %add3A_10 : vector<10000x16xf32>
    %rsqrt3A = math.rsqrt %add3A_11 : vector<10000x16xf32>
    %get3A_12 = arith.constant 0 : index
    %get3A_13 = arith.constant 0 : index
    %get3A_14 = vector.load %arg0[%get3A_12, %get3A_13] : memref<10000x128xf32, #tpu.memory_space<vmem>>, vector<10000x128xf32>
    %get3A_15 = arith.constant 0 : index
    %get3A_16 = arith.constant 0 : index
    %get3A_17 = vector.load %arg1[%get3A_15, %get3A_16] : memref<128x64xf32, #tpu.memory_space<vmem>>, vector<128x64xf32>
    %dot_general3A = arith.constant dense<0.000000e+00> : vector<10000x64xf32>
    %dot_general3A_18 = tpu.matmul %get3A_14, %get3A_17, %dot_general3A {dimension_numbers = #tpu.dot_dimension_numbers<[1], [0], [0], [1], [0, 0, 1, 1], [], []>, transpose_lhs_hint = false} : vector<10000x128xf32>, vector<128x64xf32>, vector<10000x64xf32> -> vector<10000x64xf32>
    %slice3A = vector.extract_strided_slice %rsqrt3A {offsets = [0, 0], sizes = [10000, 1], strides = [1, 1]} : vector<10000x16xf32> to vector<10000x1xf32>
    %mul3A = vector.broadcast %slice3A : vector<10000x1xf32> to vector<10000x64xf32>
    %mul3A_19 = arith.mulf %mul3A, %dot_general3A_18 : vector<10000x64xf32>
    %swap3A = arith.constant 0 : index
    %swap3A_20 = arith.constant 0 : index
    %swap3A_21 = vector.load %arg3[%swap3A, %swap3A_20] : memref<10000x64xf32, #tpu.memory_space<vmem>>, vector<10000x64xf32>
    tpu.vector_store %arg3[%swap3A, %swap3A_20], %mul3A_19 {strides = array<i32>} : memref<10000x64xf32, #tpu.memory_space<vmem>>, vector<10000x64xf32>,
    %swap3A_22 = arith.constant 0 : index
    %swap3A_23 = arith.constant 0 : index
    %swap3A_24 = vector.load %arg4[%swap3A_22, %swap3A_23] : memref<10000x16xf32, #tpu.memory_space<vmem>>, vector<10000x16xf32>
    tpu.vector_store %arg4[%swap3A_22, %swap3A_23], %rsqrt3A {strides = array<i32>} : memref<10000x16xf32, #tpu.memory_space<vmem>>, vector<10000x16xf32>,
    return
  }
}

module attributes {stable_mosaic.version = 14 : i64} {
  func.func @_tc_mid(%arg0: memref<2x10240x64xf32, #tpu.memory_space<vmem>>, %arg1: memref<10000x64xf32, #tpu.memory_space<vmem>>, %arg2: memref<10000x16xf32, #tpu.memory_space<vmem>>, %arg3: memref<1x64xf32, #tpu.memory_space<vmem>>, %arg4: memref<64x16xf32, #tpu.memory_space<vmem>>, %arg5: memref<10000x16xf32, #tpu.memory_space<vmem>>) attributes {dimension_semantics = [], scalar_prefetch = 0 : i64, scratch_operands = 0 : i64, tpu.core_type = #tpu.core_type<tc>} {
    %get3A = arith.constant 0 : index
    %get3A_0 = arith.constant 0 : index
    %get3A_1 = vector.load %arg2[%get3A, %get3A_0] : memref<10000x16xf32, #tpu.memory_space<vmem>>, vector<10000x1xf32>
    %get3A_2 = arith.constant 0 : index
    %get3A_3 = arith.constant 0 : index
    %get3A_4 = arith.constant 0 : index
    %get3A_5 = vector.load %arg0[%get3A_2, %get3A_3, %get3A_4] : memref<2x10240x64xf32, #tpu.memory_space<vmem>>, vector<1x10000x64xf32>
    %get3A_6 = vector.shape_cast %get3A_5 : vector<1x10000x64xf32> to vector<10000x64xf32>
    %get3A_7 = arith.constant 1 : index
    %get3A_8 = arith.constant 0 : index
    %get3A_9 = arith.constant 0 : index
    %get3A_10 = vector.load %arg0[%get3A_7, %get3A_8, %get3A_9] : memref<2x10240x64xf32, #tpu.memory_space<vmem>>, vector<1x10000x64xf32>
    %get3A_11 = vector.shape_cast %get3A_10 : vector<1x10000x64xf32> to vector<10000x64xf32>
    %add3A = arith.addf %get3A_6, %get3A_11 : vector<10000x64xf32>
    %get3A_12 = arith.constant 0 : index
    %get3A_13 = arith.constant 0 : index
    %get3A_14 = vector.load %arg1[%get3A_12, %get3A_13] : memref<10000x64xf32, #tpu.memory_space<vmem>>, vector<10000x64xf32>
    %add3A_15 = arith.addf %add3A, %get3A_14 : vector<10000x64xf32>
    %mul3A = vector.broadcast %get3A_1 : vector<10000x1xf32> to vector<10000x64xf32>
    %mul3A_16 = arith.mulf %mul3A, %add3A_15 : vector<10000x64xf32>
    %get3A_17 = arith.constant 0 : index
    %get3A_18 = arith.constant 0 : index
    %get3A_19 = vector.load %arg3[%get3A_17, %get3A_18] : memref<1x64xf32, #tpu.memory_space<vmem>>, vector<1x64xf32>
    %add3A_20 = vector.broadcast %get3A_19 : vector<1x64xf32> to vector<10000x64xf32>
    %add3A_21 = arith.addf %mul3A_16, %add3A_20 : vector<10000x64xf32>
    %max3A = arith.constant 0.000000e+00 : f32
    %max3A_22 = vector.broadcast %max3A : f32 to vector<10000x64xf32>
    %max3A_23 = arith.maximumf %add3A_21, %max3A_22 : vector<10000x64xf32>
    %get3A_24 = arith.constant 0 : index
    %get3A_25 = arith.constant 0 : index
    %get3A_26 = vector.load %arg4[%get3A_24, %get3A_25] : memref<64x16xf32, #tpu.memory_space<vmem>>, vector<64x16xf32>
    %dot_general3A = arith.constant dense<0.000000e+00> : vector<10000x16xf32>
    %dot_general3A_27 = tpu.matmul %max3A_23, %get3A_26, %dot_general3A {dimension_numbers = #tpu.dot_dimension_numbers<[1], [0], [0], [1], [0, 0, 1, 1], [], []>, transpose_lhs_hint = false} : vector<10000x64xf32>, vector<64x16xf32>, vector<10000x16xf32> -> vector<10000x16xf32>
    %mul3A_28 = vector.broadcast %get3A_1 : vector<10000x1xf32> to vector<10000x16xf32>
    %mul3A_29 = arith.mulf %mul3A_28, %dot_general3A_27 : vector<10000x16xf32>
    %swap3A = arith.constant 0 : index
    %swap3A_30 = arith.constant 0 : index
    %swap3A_31 = vector.load %arg5[%swap3A, %swap3A_30] : memref<10000x16xf32, #tpu.memory_space<vmem>>, vector<10000x16xf32>
    tpu.vector_store %arg5[%swap3A, %swap3A_30], %mul3A_29 {strides = array<i32>} : memref<10000x16xf32, #tpu.memory_space<vmem>>, vector<10000x16xf32>,
    return
  }
}

module attributes {stable_mosaic.version = 14 : i64} {
  func.func @_tc_out(%arg0: memref<2x10240x16xf32, #tpu.memory_space<vmem>>, %arg1: memref<10000x16xf32, #tpu.memory_space<vmem>>, %arg2: memref<10000x16xf32, #tpu.memory_space<vmem>>, %arg3: memref<1x16xf32, #tpu.memory_space<vmem>>, %arg4: memref<10000x16xf32, #tpu.memory_space<vmem>>) attributes {dimension_semantics = [], scalar_prefetch = 0 : i64, scratch_operands = 0 : i64, tpu.core_type = #tpu.core_type<tc>} {
    %get3A = arith.constant 0 : index
    %get3A_0 = arith.constant 0 : index
    %get3A_1 = vector.load %arg2[%get3A, %get3A_0] : memref<10000x16xf32, #tpu.memory_space<vmem>>, vector<10000x1xf32>
    %get3A_2 = arith.constant 0 : index
    %get3A_3 = arith.constant 0 : index
    %get3A_4 = arith.constant 0 : index
    %get3A_5 = vector.load %arg0[%get3A_2, %get3A_3, %get3A_4] : memref<2x10240x16xf32, #tpu.memory_space<vmem>>, vector<1x10000x16xf32>
    %get3A_6 = vector.shape_cast %get3A_5 : vector<1x10000x16xf32> to vector<10000x16xf32>
    %get3A_7 = arith.constant 1 : index
    %get3A_8 = arith.constant 0 : index
    %get3A_9 = arith.constant 0 : index
    %get3A_10 = vector.load %arg0[%get3A_7, %get3A_8, %get3A_9] : memref<2x10240x16xf32, #tpu.memory_space<vmem>>, vector<1x10000x16xf32>
    %get3A_11 = vector.shape_cast %get3A_10 : vector<1x10000x16xf32> to vector<10000x16xf32>
    %add3A = arith.addf %get3A_6, %get3A_11 : vector<10000x16xf32>
    %get3A_12 = arith.constant 0 : index
    %get3A_13 = arith.constant 0 : index
    %get3A_14 = vector.load %arg1[%get3A_12, %get3A_13] : memref<10000x16xf32, #tpu.memory_space<vmem>>, vector<10000x16xf32>
    %add3A_15 = arith.addf %add3A, %get3A_14 : vector<10000x16xf32>
    %mul3A = vector.broadcast %get3A_1 : vector<10000x1xf32> to vector<10000x16xf32>
    %mul3A_16 = arith.mulf %mul3A, %add3A_15 : vector<10000x16xf32>
    %get3A_17 = arith.constant 0 : index
    %get3A_18 = arith.constant 0 : index
    %get3A_19 = vector.load %arg3[%get3A_17, %get3A_18] : memref<1x16xf32, #tpu.memory_space<vmem>>, vector<1x16xf32>
    %add3A_20 = vector.broadcast %get3A_19 : vector<1x16xf32> to vector<10000x16xf32>
    %add3A_21 = arith.addf %mul3A_16, %add3A_20 : vector<10000x16xf32>
    %swap3A = arith.constant 0 : index
    %swap3A_22 = arith.constant 0 : index
    %swap3A_23 = vector.load %arg4[%swap3A, %swap3A_22] : memref<10000x16xf32, #tpu.memory_space<vmem>>, vector<10000x16xf32>
    tpu.vector_store %arg4[%swap3A, %swap3A_22], %add3A_21 {strides = array<i32>} : memref<10000x16xf32, #tpu.memory_space<vmem>>, vector<10000x16xf32>,
    return
  }
}

</mosaic_0001>

<sc_bundles>
// kernel: kernel.11.cloned.1.call-start
scs
__scs_entry_jumppad:
0x0: {  	(pc) =	sbr.rel $0x88, $3  }
0x1: {  	(tag) =	ssettag $0x0;
	lr =	simm.s32 $0x1  }
0x2: {  	[smem:$0x3F9B] =	sst lr;
	_ =	strace $0xD0000000  }
0x3: {  	_ = 	snop  }
0x4: {  	_ = 	snop  }
0x5: {  	_ = 	snop  }
0x6: {  	_ = 	snop  }
0x7: {  	_ = 	snop  }
__scs_overlays_trampoline_lowered:
0x8: {  	[smem:$0x3FAA] =	sst s0  }
0x9: {  	[smem:$0x3FAB] =	sst s1  }
0xa: {  	[smem:$0x3FAC] =	sst s2  }
0xb: {  	[smem:$0x3FAD] =	sst s3  }
0xc: {  	[smem:$0x3FAE] =	sst s4  }
0xd: {  	[smem:$0x3FAF] =	sst s5  }
0xe: {  	[smem:$0x3FB0] =	sst s6  }
0xf: {  	[smem:$0x3FB1] =	sst s7  }
0x10: {  	[smem:$0x3FB2] =	sst s8  }
0x11: {  	[smem:$0x3FB3] =	sst s9;
	s0 =	simm.s32 @!p0 $0x0  }
0x12: {  	s1 =	sld [smem:$0x3F99];
	s0 =	simm.s32 @p0 $0x1  }
0x13: {  	[smem:$0x3FB4] =	sst s0;
	s0 =	simm.s32 @!p1 $0x0  }
0x14: {  	s2 =	sld [smem:$0x3F98];
	s0 =	simm.s32 @p1 $0x1  }
0x15: {  	[smem:$0x3FB5] =	sst s0;
	s0 =	simm.s32 @!p2 $0x0  }
0x16: {  	s3 =	sld [smem:$0x3FDB];
	s0 =	simm.s32 @p2 $0x1  }
0x17: {  	s4 =	simm.s32 $0x1BF5;
	[smem:$0x3FB7] =	sst s0  }
0x18: {  	s0 =	sld [smem:$0x3F9A];
	_ =	swait.ge [sflag:s4], $0x0  }
0x19: {  	s7 =	sld [smem:$0x3F9B]  }
0x1a: {  	s8 =	sadd.s32 $0xFFFFE003, lr  }
0x1b: {  	s9 =	sadd.s32 $0xFFFFFEF7, lr;
	s5 =	simm.s32 $0xFFFFFFFF;
	p2 =	slt.u32 s8, $0xFFFFF086  }
0x1c: {  	p1 =	slt.u32 s9, $0xF7A;
	s5 =	simm.s32 @!p2 $0x0  }
0x1d: {  	s5 =	simm.s32 @p1 $0x1;
	p0 =	seq.s32 s7, s2  }
0x1e: {  	s7 =	smul.u32 @!p0 $0xF7A, s2;
	p2 =	seq.s32 @!p0 s5, $0x0  }
0x1f: {  	s9 =	smul.u32 $0xF7A, s1;
	s8 =	simm.s32 @!p0 $0x1BF5;
	p2 =	por !p2, p0  }
0x20: {  	[sflag:s8] =	ssyncset.s32 @!p0 $0xFFFFF086;
	s6 =	sadd.s32 @!p0 s3, s7;
	s7 =	simm.s32 @!p0 $0x108  }
0x21: {  	s3 =	sadd.s32 s3, s9;
	s6 =	sadd.s32 @!p0 $0x88, s6;
	s7 =	simm.s32 @p2 $0x1082  }
0x22: {  	[simem:s7], [sflag:s8] =	dma.local @!p0 [hbm:s6], $0xF7A  }
0x23: {  	s9 =	sor.u32 $0xD0000000, s2;
	s6 =	simm.s32 $0x108;
	_ =	swait.ge @!p0 [sflag:s8], $0x0  }
0x24: {  	s3 =	sadd.s32 $0x88, s3;
	s6 =	simm.s32 @!p1 $0x1082;
	[sflag:s4] =	ssyncset.s32 $0xFFFFF086  }
0x25: {  	[simem:s6], [sflag:s4] =	dma.local [hbm:s3], $0xF7A  }
0x26: {  	[smem:$0x3F9B] =	sst s1;
	(tag) =	ssettag s2;
	_ =	strace s9  }
0x27: {  	s1 =	sld [smem:$0x3FAB]  }
0x28: {  	s2 =	sld [smem:$0x3FAC]  }
0x29: {  	s4 =	sld [smem:$0x3FAE]  }
0x2a: {  	p0 =	seq.s32 s5, $0x0;
	s5 =	sld [smem:$0x3FAF]  }
0x2b: {  	s6 =	sld [smem:$0x3FB0]  }
0x2c: {  	s7 =	sld [smem:$0x3FB1]  }
0x2d: {  	s3 =	simm.s32 $0x108;
	s8 =	sld [smem:$0x3FB2]  }
0x2e: {  	s3 =	simm.s32 @!p0 $0x1082;
	s9 =	sld [smem:$0x3FB3]  }
0x2f: {  	lr =	sadd.s32 s0, s3;
	s0 =	sld [smem:$0x3FAA]  }
0x30: {  	s3 =	sld [smem:$0x3FAD]  }
0x31: {  	[smem:$0x3FB6] =	sst s10  }
0x32: {  	s10 =	sld [smem:$0x3FB4];
	_ =	sdelay $0x3  }
0x33: {  	p0 =	seq.s32 s10, $0x1;
	s10 =	sld [smem:$0x3FB6];
	_ =	sdelay $0x3  }
0x34: {  	[smem:$0x3FB6] =	sst s10  }
0x35: {  	s10 =	sld [smem:$0x3FB5];
	_ =	sdelay $0x3  }
0x36: {  	p1 =	seq.s32 s10, $0x1;
	s10 =	sld [smem:$0x3FB6];
	_ =	sdelay $0x3  }
0x37: {  	[smem:$0x3FB6] =	sst s10  }
0x38: {  	s10 =	sld [smem:$0x3FB7]  }
0x39: {  	_ = 	snop;
	(pc) =	sbr.ind lr, $3  }
0x3a: {  	_ = 	snop  }
0x3b: {  	_ = 	snop  }
0x3c: {  	p2 =	seq.s32 s10, $0x1;
	s10 =	sld [smem:$0x3FB6]  }
0x3d: {  	_ =	shalt  }
0x3e: {  	_ =	shalt  }
0x3f: {  	_ =	shalt  }
0x40: {  	_ =	shalt  }
0x41: {  	_ =	shalt  }
0x42: {  	_ =	shalt  }
0x43: {  	_ =	shalt  }
0x44: {  	_ =	shalt  }
0x45: {  	_ =	shalt  }
0x46: {  	_ =	shalt  }
0x47: {  	_ =	shalt  }
0x48: {  	_ =	shalt  }
0x49: {  	_ =	shalt  }
0x4a: {  	_ =	shalt  }
0x4b: {  	_ =	shalt  }
0x4c: {  	_ =	shalt  }
0x4d: {  	_ =	shalt  }
0x4e: {  	_ =	shalt  }
0x4f: {  	_ =	shalt  }
0x50: {  	_ =	shalt  }
0x51: {  	_ =	shalt  }
0x52: {  	_ =	shalt  }
0x53: {  	_ =	shalt  }
0x54: {  	_ =	shalt  }
0x55: {  	_ =	shalt  }
0x56: {  	_ =	shalt  }
0x57: {  	_ =	shalt  }
0x58: {  	_ =	shalt  }
0x59: {  	_ =	shalt  }
0x5a: {  	_ =	shalt  }
0x5b: {  	_ =	shalt  }
0x5c: {  	_ =	shalt  }
0x5d: {  	_ =	shalt  }
0x5e: {  	_ =	shalt  }
0x5f: {  	_ =	shalt  }
0x60: {  	_ =	shalt  }
0x61: {  	_ =	shalt  }
0x62: {  	_ =	shalt  }
0x63: {  	_ =	shalt  }
0x64: {  	_ =	shalt  }
0x65: {  	_ =	shalt  }
0x66: {  	_ =	shalt  }
0x67: {  	_ =	shalt  }
0x68: {  	_ =	shalt  }
0x69: {  	_ =	shalt  }
0x6a: {  	_ =	shalt  }
0x6b: {  	_ =	shalt  }
0x6c: {  	_ =	shalt  }
0x6d: {  	_ =	shalt  }
0x6e: {  	_ =	shalt  }
0x6f: {  	_ =	shalt  }
0x70: {  	_ =	shalt  }
0x71: {  	_ =	shalt  }
0x72: {  	_ =	shalt  }
0x73: {  	_ =	shalt  }
0x74: {  	_ =	shalt  }
0x75: {  	_ =	shalt  }
0x76: {  	_ =	shalt  }
0x77: {  	_ =	shalt  }
0x78: {  	_ =	shalt  }
0x79: {  	_ =	shalt  }
0x7a: {  	_ =	shalt  }
0x7b: {  	_ =	shalt  }
0x7c: {  	_ =	shalt  }
0x7d: {  	_ =	shalt  }
0x7e: {  	_ =	shalt  }
0x7f: {  	_ =	shalt  }
0x80: {  	_ =	shalt  }
0x81: {  	_ =	shalt  }
0x82: {  	_ =	shalt  }
0x83: {  	_ =	shalt  }
0x84: {  	_ =	shalt  }
0x85: {  	_ =	shalt  }
0x86: {  	_ =	shalt  }
0x87: {  	_ =	shalt  }
.Lfunc_end0:
.L_simem_size_0:
called_computation.1_lowered:
.L_overlay_start_0:
0x88: {  	s2 =	sld [smem:$0x3FD9]  }
0x89: {  	s3 =	sld [smem:$0x3FFE];
	_ =	sdelay $0x1  }
0x8a: {  	s1 =	srdreg.scid  }
0x8b: {  	s0 =	sand.u32 $0x1, s1  }
0x8c: {  	s16 =	sshll.u32 s0, $0xA;
	s2 =	sadd.s32 s3, s2  }
0x8d: {  	s2 =	sadd.s32 s2, s16  }
0x8e: {  	[smem:$0x3FC2] =	sst s2  }
0x8f: {  	_ = 	snop  }
0x90: {  	(tm) =	ssettm $0x1  }
0x91: {  	s17 =	sld [smem:$0x3FFB];
	_ =	sdelay $0x3  }
0x92: {  	_ =	strace s17  }
0x93: {  	s2 =	sld [smem:$0x3FFC];
	_ =	sdelay $0x3  }
0x94: {  	_ =	strace s2  }
0x95: {  	s2 =	sld [smem:$0x3FFD];
	_ =	sdelay $0x3  }
0x96: {  	_ =	strace s2  }
0x97: {  	_ =	strace $0x8FFFFFFF  }
0x98: {  	s18 =	sld [smem:$0x3FDB];
	_ =	sdelay $0x1  }
0x99: {  	s19 =	simm.s32 $_scs_section_size  }
0x9a: {  	s4 =	simm.s32 $_size__tile_overlayer_lowered;
	s5 =	simm.s32 $_tile_overlayer_lowered  }
0x9b: {  	s22 =	simm.s32 $0x1BFF;
	s21 =	sshll.u32 s5, $0x1;
	s2 =	sadd.s32 s19, s18  }
0x9c: {  	s6 =	simm.s32 $0x0;
	s20 =	sshll.u32 s4, $0x1;
	s4 =	sadd.s32 s21, s2  }
0x9d: {  	[timem:s6], [sflag:s22] =	dma.local [hbm:s4], s20  }
0x9e: {  	_ =	swait.ge [sflag:s22], s20  }
0x9f: {  	s3 =	ssub.s32 $0x0, s20;
	[sflag:s22] =	ssyncset.done $0x0  }
0xa0: {  	[sflag:s22] =	ssyncadd.s32 s3;
	_ =	sdelay $0x1  }
0xa1: {  	s23 =	simm.s32 $0x1B8B  }
0xa2: {  	_ =	swait.ge [sflag:s23], $0x1  }
0xa3: {  	[sflag:s23] =	ssyncset.done $0x0  }
0xa4: {  	s25 =	simm.s32 $0x1B8E;
	s24 =	sld [smem:$0x3FFE];
	[sflag:s23] =	ssyncadd.s32 $0xFFFFFFFF  }
0xa5: {  	s26 =	simm.s32 $execute0_lowered;
	[smem:$0x3FD2] =	sst s25  }
0xa6: {  	s4 =	sshll.u32 s26, $0x1;
	_ =	strace $0x80000049;
	[dreg:$0x1] =	wrdreg $0xFFFFFFFF  }
0xa7: {  	s28 =	simm.s32 $_size_execute0_lowered;
	s2 =	sadd.s32 s2, s4;
	[dreg:$0x0] =	wrdreg $0x0  }
0xa8: {  	s4 =	sshll.u32 s28, $0x1;
	[dreg:$0x2] =	wrdreg s2  }
0xa9: {  	[dreg:$0x3] =	wrdreg s4  }
0xaa: {  	[dreg:$0x4] =	wrdreg $0xC0  }
0xab: {  	_ =	task [dreg:s6], $0x5FFFF  }
0xac: {  	[dreg:$0x1] =	wrdreg $0xFFFFFFFF  }
0xad: {  	[dreg:$0x0] =	wrdreg $0x60  }
0xae: {  	[dreg:$0x2] =	wrdreg s24  }
0xaf: {  	[dreg:$0x3] =	wrdreg $0xF0000  }
0xb0: {  	[dreg:$0x4] =	wrdreg $0x9  }
0xb1: {  	_ =	task.clear_ibuf [dreg:s6], $0x5FFFF;
	_ =	strace $0x90000049  }
0xb2: {  	s29 =	simm.s32 $0x9;
	_ =	strace $0x8000004B  }
0xb3: {  	_ =	swait.ge [sflag:s29], $0x1  }
0xb4: {  	[sflag:s29] =	ssyncadd.s32 $0xFFFFFFFF  }
0xb5: {  	_ =	strace $0x9000004B  }
0xb6: {  	_ =	sfence  }
0xb7: {  	s30 =	sld [smem:$0x0];
	_ =	sdelay $0x2  }
0xb8: {  	s31 =	sshll.u32 s1, $0xD;
	s1 =	sshrl.u32 s1, $0x2  }
0xb9: {  	s3 =	sand.u32 $0x4000, s31;
	s1 =	sadd.s32 s1, s30  }
0xba: {  	s0 =	sor.u32 s3, s0;
	s1 =	sshll.u32 s1, $0x11  }
0xbb: {  	s0 =	sor.u32 s1, s0  }
0xbc: {  	s0 =	sadd.s32 $0x8F2B, s0  }
0xbd: {  	[sflag:s0] =	ssyncadd.remote.s32 $0x1  }
0xbe: {  	_ =	sfence.sel $0xFFFF  }
0xbf: {  	[dreg:$0x0] =	wrdreg $0xFFFFFFFF;
	(pc) =	sbr.abs _section_cstart, $3  }
0xc0: {  	[dreg:$0x1] =	wrdreg $0xFFFFFFFF  }
0xc1: {  	_ =	task.clear_ibuf [dreg:s6], $0x2FFFF;
	_ =	strace $0x9FFFFFFF  }
0xc2: {  	(tm) =	ssettm $0x7FFFFFFF  }
0xc3: {  	_ =	shalt  }
tec
execute0_lowered:
.L_overlay_start_1:
0x0: {  	(tag) =	ssettag $0x1  }
0x1: {  	s6 =	rddreg [dreg:$0x0]  }
0x2: {  	s0 =	srdreg.scid;
	s2 =	rddreg [dreg:$0x1]  }
0x3: {  	s3 =	simm.s32 $0x0;
	s14 =	simm.s32 $0xD000;
	s15 =	simm.s32 $0x3  }
0x4: {  	s16 =	simm.s32 $0x2800;
	s17 =	simm.s32 $0x100;
	s18 =	simm.s32 $0x5000  }
0x5: {  	s19 =	simm.s32 $0x9000;
	s20 =	simm.s32 $0x1;
	s21 =	simm.s32 $0x2  }
0x6: {  	s22 =	simm.s32 $0x2700;
	s5 =	sand.u32 $0x1, s0;
	s0 =	stileid.u32  }
0x7: {  	s23 =	simm.s32 $0x4E00;
	s24 =	simm.s32 $0x4F00;
	s8 =	smul.u32 $0xA000, s0  }
0x8: {  	[smem:$0x7FF] =	sst s3;
	s1 =	sshll.u32 s5, $0x4;
	s9 =	smul.u32 $0xA0000, s5  }
0x9: {  	s10 =	smul.u32 $0x28000, s0;
	s5 =	ssub.s32 $0x2, s5;
	s1 =	sor.u32 s0, s1  }
0xa: {  	s4 =	sadd.s32 $0x15200, s6;
	s31 =	sshrl.u32 s5, $0x1;
	s7 =	smul.u32 $0x500, s1  }
0xb: {  	s1 =	rddreg [dreg:$0x2];
	_ =	strace $0x8000004A;
	s29 =	sadd.s32 s8, s9  }
0xc: {  	s30 =	sshrl.u32 s10, $0x2;
	s13 =	ssub.s32 s5, s31;
	s5 =	sadd.s32 s8, s2  }
0xd: {  	s9 =	sadd.s32 s30, s2;
	s11 =	sadd.s32 s7, s6;
	s7 =	sshrl.u32 s29, $0x3  }
0xe: {  	s13 =	smax.u32 s13, $0x1;
	s8 =	sadd.s32 $0x6000, s9;
	s12 =	sadd.s32 s7, s6  }
0xf: {  	s6 =	sadd.s32 $0x2000, s9;
	s7 =	sadd.s32 $0x4000, s9;
	s9 =	sadd.s32 $0x8000, s9  }
0x10: {  	v0 =	vimm.f32 $0.0e+00;
	s10 =	sadd.s32 $0xB200, s11;
	s11 =	sadd.s32 $0x1200, s11;
	s12 =	sadd.s32 $0x28C00, s12  }
.LBB2_1:
0x11: {  	s26 =	simm.s32 $0x100;
	s25 =	simm.s32 $0x0  }
.LBB2_2:
0x12: {  	p0 =	sne.s32 s26, $0x7F00;
	[tilespmem:s25+$0xD030] =	vst v0;
	s28 =	smov.u32 s26;
	s26 =	sadd.s32 $0x100, s26  }
.Ltmp0:
0x13: {  	[tilespmem:s25+$0xD020] =	vst v0;
	(pc) =	sbr.rel @p0 .LBB2_2-.Ltmp0, $3  }
0x14: {  	[tilespmem:s25+$0xD000] =	vst v0  }
0x15: {  	[tilespmem:s25+$0xD010] =	vst v0;
	_ =	sdelay $0x1  }
0x16: {  	s25 =	sshra.s32 s28, $0x2  }
0x17: {  	[tilespmem:s25+$0xD030] =	vst v0  }
0x18: {  	[tilespmem:s25+$0xD020] =	vst v0  }
0x19: {  	[tilespmem:s25+$0xD000] =	vst v0  }
0x1a: {  	[tilespmem:s25+$0xD010] =	vst v0  }
0x1b: {  	[spmem:s5] =	stream.linear.scatter [tilespmem:s14], [sflag:$0x3], $0x2000, $0x38;
	[tilespmem:$0x19000] =	vst v63  }
0x1c: {  	_ =	swait.ge [sflag:s15], $0x2000  }
0x1d: {  	[sflag:s15] =	ssyncset.done $0x0  }
0x1e: {  	[sflag:s15] =	ssyncadd.s32 $0xFFFFE000  }
0x1f: {  	[spmem:s6] =	stream.linear.scatter [tilespmem:s14], [sflag:$0x3], $0x2000, $0x38;
	[tilespmem:$0x19000] =	vst v63  }
0x20: {  	_ =	swait.ge [sflag:s15], $0x2000  }
0x21: {  	[sflag:s15] =	ssyncset.done $0x0  }
0x22: {  	[sflag:s15] =	ssyncadd.s32 $0xFFFFE000  }
0x23: {  	[spmem:s7] =	stream.linear.scatter [tilespmem:s14], [sflag:$0x3], $0x2000, $0x38;
	[tilespmem:$0x19000] =	vst v63  }
0x24: {  	_ =	swait.ge [sflag:s15], $0x2000  }
0x25: {  	[sflag:s15] =	ssyncset.done $0x0  }
0x26: {  	[sflag:s15] =	ssyncadd.s32 $0xFFFFE000  }
0x27: {  	[spmem:s8] =	stream.linear.scatter [tilespmem:s14], [sflag:$0x3], $0x2000, $0x38;
	[tilespmem:$0x19000] =	vst v63  }
0x28: {  	_ =	swait.ge [sflag:s15], $0x2000  }
0x29: {  	[sflag:s15] =	ssyncset.done $0x0  }
0x2a: {  	[sflag:s15] =	ssyncadd.s32 $0xFFFFE000  }
0x2b: {  	[spmem:s9] =	stream.linear.scatter [tilespmem:s14], [sflag:$0x3], $0x2000, $0x38;
	[tilespmem:$0x19000] =	vst v63  }
0x2c: {  	_ =	swait.ge [sflag:s15], $0x2000  }
0x2d: {  	[sflag:s15] =	ssyncset.done $0x0  }
0x2e: {  	[sflag:s15] =	ssyncadd.s32 $0xFFFFE000  }
0x2f: {  	s26 =	simm.s32 $0x0;
	[bflag:$0x0] =	sbarrier.arrive $0xFFFF  }
0x30: {  	[tilespmem:s26], [sflag:$0x3] =	stream.linear.gather [hbm4b:s10+s26], $0x2800, $0x38;
	[tilespmem:$0x19000] =	vst v63  }
0x31: {  	_ =	swait.ge [sflag:s15], $0x2800  }
0x32: {  	[sflag:s15] =	ssyncset.done $0x0  }
0x33: {  	[sflag:s15] =	ssyncadd.s32 $0xFFFFD800  }
0x34: {  	[tilespmem:s16], [sflag:$0x3] =	stream.linear.gather [hbm4b:s11+s26], $0x2800, $0x38;
	[tilespmem:$0x19000] =	vst v63  }
0x35: {  	_ =	swait.ge [sflag:s15], $0x2800  }
0x36: {  	[sflag:s15] =	ssyncset.done $0x0  }
0x37: {  	[sflag:s15] =	ssyncadd.s32 $0xFFFFD800  }
0x38: {  	[tilespmem:s18], [sflag:$0x1] =	stream.indirect.gather [hbm4b:s4+s17], $0x40, s26, s17, $0xb8;
	[tilespmem:$0x19000] =	vst v63  }
0x39: {  	s28 =	simm.s32 $0x100  }
0x3a: {  	[tilespmem:s19], [sflag:$0x2] =	stream.indirect.gather [hbm4b:s4+s17], $0x40, s28, s17, $0xb8;
	[tilespmem:$0x19000] =	vst v63  }
0x3b: {  	_ =	swait.ge [sflag:s20], $0x4000  }
0x3c: {  	[sflag:s20] =	ssyncset.done $0x0  }
0x3d: {  	s29 =	simm.s32 $0x2800;
	[sflag:s20] =	ssyncadd.s32 $0xFFFFC000  }
0x3e: {  	[spmem:s2] =	stream.indirect.scatter.add.f32 [tilespmem:s18], [sflag:$0x3], $0x40, s29, s17, $0xb8;
	[tilespmem:$0x19000] =	vst v63  }
0x3f: {  	_ =	swait.ge [sflag:s15], $0x4000  }
0x40: {  	[sflag:s15] =	ssyncset.done $0x0  }
0x41: {  	s30 =	simm.s32 $0x200;
	[sflag:s15] =	ssyncadd.s32 $0xFFFFC000  }
0x42: {  	[tilespmem:s18], [sflag:$0x1] =	stream.indirect.gather [hbm4b:s4+s17], $0x40, s30, s17, $0xb8;
	[tilespmem:$0x19000] =	vst v63  }
0x43: {  	_ =	swait.ge [sflag:s21], $0x4000  }
0x44: {  	[sflag:s21] =	ssyncset.done $0x0  }
0x45: {  	s31 =	simm.s32 $0x2900;
	[sflag:s21] =	ssyncadd.s32 $0xFFFFC000  }
0x46: {  	[spmem:s2] =	stream.indirect.scatter.add.f32 [tilespmem:s19], [sflag:$0x3], $0x40, s31, s17, $0xb8;
	[tilespmem:$0x19000] =	vst v63  }
0x47: {  	_ =	swait.ge [sflag:s15], $0x4000  }
0x48: {  	s25 =	simm.s32 $0x200;
	s26 =	simm.s32 $0x1000;
	[sflag:s15] =	ssyncset.done $0x0  }
.LBB2_4:
0x49: {  	s28 =	sadd.s32 $0x100, s25  }
0x4a: {  	[sflag:s15] =	ssyncadd.s32 $0xFFFFC000;
	s29 =	smov.u32 s26;
	s30 =	sadd.s32 $0x800, s26  }
0x4b: {  	[tilespmem:s19], [sflag:$0x2] =	stream.indirect.gather [hbm4b:s4+s17], $0x40, s28, s17, $0xb8;
	[tilespmem:$0x19000] =	vst v63  }
0x4c: {  	p0 =	sne.s32 s26, $0x9000;
	_ =	swait.ge [sflag:s20], $0x4000  }
0x4d: {  	[sflag:s20] =	ssyncset.done $0x0  }
0x4e: {  	s26 =	sadd.s32 $0x2800, s25;
	[sflag:s20] =	ssyncadd.s32 $0xFFFFC000  }
0x4f: {  	[spmem:s2] =	stream.indirect.scatter.add.f32 [tilespmem:s18], [sflag:$0x3], $0x40, s26, s17, $0xb8;
	[tilespmem:$0x19000] =	vst v63  }
0x50: {  	_ =	swait.ge [sflag:s15], $0x4000  }
0x51: {  	[sflag:s15] =	ssyncset.done $0x0  }
0x52: {  	s26 =	sadd.s32 $0x200, s25;
	[sflag:s15] =	ssyncadd.s32 $0xFFFFC000  }
0x53: {  	[tilespmem:s18], [sflag:$0x1] =	stream.indirect.gather [hbm4b:s4+s17], $0x40, s26, s17, $0xb8;
	[tilespmem:$0x19000] =	vst v63  }
0x54: {  	_ =	swait.ge [sflag:s21], $0x4000  }
.Ltmp1:
0x55: {  	[sflag:s21] =	ssyncset.done $0x0;
	(pc) =	sbr.rel @p0 .LBB2_4-.Ltmp1, $4  }
0x56: {  	s25 =	sadd.s32 $0x2900, s25;
	[sflag:s21] =	ssyncadd.s32 $0xFFFFC000  }
0x57: {  	[spmem:s2] =	stream.indirect.scatter.add.f32 [tilespmem:s19], [sflag:$0x3], $0x40, s25, s17, $0xb8;
	[tilespmem:$0x19000] =	vst v63  }
0x58: {  	_ =	swait.ge [sflag:s15], $0x4000  }
0x59: {  	s26 =	smov.u32 s30;
	s25 =	sshra.s32 s29, $0x2;
	[sflag:s15] =	ssyncset.done $0x0  }
0x5a: {  	s26 =	sadd.s32 $0x100, s25;
	[sflag:s15] =	ssyncadd.s32 $0xFFFFC000  }
0x5b: {  	[tilespmem:s19], [sflag:$0x2] =	stream.indirect.gather [hbm4b:s4+s17], $0x40, s26, s17, $0xb8;
	[tilespmem:$0x19000] =	vst v63  }
0x5c: {  	_ =	swait.ge [sflag:s20], $0x4000  }
0x5d: {  	[sflag:s20] =	ssyncset.done $0x0  }
0x5e: {  	s31 =	sadd.s32 $0x2800, s25;
	[sflag:s20] =	ssyncadd.s32 $0xFFFFC000  }
0x5f: {  	[spmem:s2] =	stream.indirect.scatter.add.f32 [tilespmem:s18], [sflag:$0x3], $0x40, s31, s17, $0xb8;
	[tilespmem:$0x19000] =	vst v63  }
0x60: {  	_ =	swait.ge [sflag:s15], $0x4000  }
0x61: {  	[sflag:s15] =	ssyncset.done $0x0  }
0x62: {  	s28 =	sadd.s32 $0x200, s25;
	[sflag:s15] =	ssyncadd.s32 $0xFFFFC000  }
0x63: {  	[tilespmem:s18], [sflag:$0x1] =	stream.indirect.gather [hbm4b:s4+s17], $0x40, s28, s17, $0xb8;
	[tilespmem:$0x19000] =	vst v63  }
0x64: {  	_ =	swait.ge [sflag:s21], $0x4000  }
0x65: {  	[sflag:s21] =	ssyncset.done $0x0  }
0x66: {  	s29 =	sadd.s32 $0x2900, s25;
	[sflag:s21] =	ssyncadd.s32 $0xFFFFC000  }
0x67: {  	[spmem:s2] =	stream.indirect.scatter.add.f32 [tilespmem:s19], [sflag:$0x3], $0x40, s29, s17, $0xb8;
	[tilespmem:$0x19000] =	vst v63  }
0x68: {  	_ =	swait.ge [sflag:s15], $0x4000  }
0x69: {  	[sflag:s15] =	ssyncset.done $0x0  }
0x6a: {  	[sflag:s15] =	ssyncadd.s32 $0xFFFFC000  }
0x6b: {  	[tilespmem:s19], [sflag:$0x2] =	stream.indirect.gather [hbm4b:s4+s17], $0x40, s22, s17, $0xb8;
	[tilespmem:$0x19000] =	vst v63  }
0x6c: {  	_ =	swait.ge [sflag:s20], $0x4000  }
0x6d: {  	[sflag:s20] =	ssyncset.done $0x0  }
0x6e: {  	[sflag:s20] =	ssyncadd.s32 $0xFFFFC000  }
0x6f: {  	[spmem:s2] =	stream.indirect.scatter.add.f32 [tilespmem:s18], [sflag:$0x3], $0x40, s23, s17, $0xb8;
	[tilespmem:$0x19000] =	vst v63  }
0x70: {  	_ =	swait.ge [sflag:s15], $0x4000  }
0x71: {  	[sflag:s15] =	ssyncset.done $0x0  }
0x72: {  	[sflag:s15] =	ssyncadd.s32 $0xFFFFC000  }
0x73: {  	_ =	swait.ge [sflag:s21], $0x4000  }
0x74: {  	[sflag:s21] =	ssyncset.done $0x0  }
0x75: {  	[sflag:s21] =	ssyncadd.s32 $0xFFFFC000  }
0x76: {  	[spmem:s2] =	stream.indirect.scatter.add.f32 [tilespmem:s19], [sflag:$0x3], $0x40, s24, s17, $0xb8;
	[tilespmem:$0x19000] =	vst v63  }
0x77: {  	_ =	swait.ge [sflag:s15], $0x4000  }
0x78: {  	s30 =	sshll.u32 s0, $0x6;
	s3 =	sadd.s32 $0x1, s3;
	[sflag:s15] =	ssyncset.done $0x0  }
0x79: {  	s25 =	sor.u32 $0x1C03, s30;
	p0 =	sne.s32 s3, s13;
	[sflag:s15] =	ssyncadd.s32 $0xFFFFC000  }
.Ltmp2:
0x7a: {  	s31 =	sshrl.u32 s5, $0x3;
	[bflag:$0x0] =	sbarrier.arrive $0xFFFF;
	(pc) =	sbr.rel @p0 .LBB2_1-.Ltmp2, $4  }
0x7b: {  	[hbm:s12], [sflag:s25] =	dma.local [spmem:s31], $0x1400  }
0x7c: {  	_ =	swait.ge [sflag:s15], $0x1400  }
0x7d: {  	[sflag:s15] =	ssyncset.done $0x0  }
0x7e: {  	[sflag:s15] =	ssyncadd.s32 $0xFFFFEC00  }
0x7f: {  	_ =	sfence.sel $0x180000  }
0x80: {  	[bflag:$0x0] =	sbarrier.arrive $0xFFFF  }
0x81: {  	p0 =	sne.s32 s0, $0x0;
	_ =	strace $0x9000004A  }
0x82: {  	s0 =	sadd.s32 @!p0 $0x100000, s1;
	[bflag:$0x2] =	sbarrier.arrive $0xFFFF  }
0x83: {  	[sflag:s0] =	ssyncadd.tile.s32 @!p0 $0x1;
	_ =	shalt  }
.Lfunc_end2:
_tile_overlayer_lowered:
.L_overlay_start_2:
0x84: {  	(tag) =	ssettag $0x2  }
0x85: {  	s0 =	rddreg [dreg:$0x0];
	s2 =	stileid.u32  }
0x86: {  	s1 =	rddreg [dreg:$0x1];
	p0 =	sne.s32 s2, $0x0  }
0x87: {  	s3 =	rddreg [dreg:$0x2];
	[bflag:$0x3] =	sbarrier.arrive $0xFFFF;
	s2 =	simm.s32 @!p0 $0x1C03  }
0x88: {  	[timem:s3], [sflag:s2] =	dma.local @!p0 [hbm:s0], s1  }
0x89: {  	s0 =	simm.s32 @!p0 $0x3  }
0x8a: {  	_ =	swait.ge @!p0 [sflag:s0], s1  }
0x8b: {  	s1 =	ssub.s32 @!p0 $0x0, s1;
	[sflag:s0] =	ssyncset.done @!p0 $0x0  }
0x8c: {  	[sflag:s0] =	ssyncadd.s32 @!p0 s1  }
0x8d: {  	[bflag:$0x3] =	sbarrier.arrive $0xFFFF  }
0x8e: {  	_ =	shalt  }

// kernel: kernel.14.cloned.1.call-start
scs
__scs_entry_jumppad:
0x0: {  	(pc) =	sbr.rel $0x88, $3  }
0x1: {  	(tag) =	ssettag $0x0;
	lr =	simm.s32 $0x1  }
0x2: {  	[smem:$0x3F9B] =	sst lr;
	_ =	strace $0xD0000000  }
0x3: {  	_ = 	snop  }
0x4: {  	_ = 	snop  }
0x5: {  	_ = 	snop  }
0x6: {  	_ = 	snop  }
0x7: {  	_ = 	snop  }
__scs_overlays_trampoline_lowered:
0x8: {  	[smem:$0x3FAA] =	sst s0  }
0x9: {  	[smem:$0x3FAB] =	sst s1  }
0xa: {  	[smem:$0x3FAC] =	sst s2  }
0xb: {  	[smem:$0x3FAD] =	sst s3  }
0xc: {  	[smem:$0x3FAE] =	sst s4  }
0xd: {  	[smem:$0x3FAF] =	sst s5  }
0xe: {  	[smem:$0x3FB0] =	sst s6  }
0xf: {  	[smem:$0x3FB1] =	sst s7  }
0x10: {  	[smem:$0x3FB2] =	sst s8  }
0x11: {  	[smem:$0x3FB3] =	sst s9;
	s0 =	simm.s32 @!p0 $0x0  }
0x12: {  	s1 =	sld [smem:$0x3F99];
	s0 =	simm.s32 @p0 $0x1  }
0x13: {  	[smem:$0x3FB4] =	sst s0;
	s0 =	simm.s32 @!p1 $0x0  }
0x14: {  	s2 =	sld [smem:$0x3F98];
	s0 =	simm.s32 @p1 $0x1  }
0x15: {  	[smem:$0x3FB5] =	sst s0;
	s0 =	simm.s32 @!p2 $0x0  }
0x16: {  	s3 =	sld [smem:$0x3FDB];
	s0 =	simm.s32 @p2 $0x1  }
0x17: {  	s4 =	simm.s32 $0x1BF5;
	[smem:$0x3FB7] =	sst s0  }
0x18: {  	s0 =	sld [smem:$0x3F9A];
	_ =	swait.ge [sflag:s4], $0x0  }
0x19: {  	s7 =	sld [smem:$0x3F9B]  }
0x1a: {  	s8 =	sadd.s32 $0xFFFFE003, lr  }
0x1b: {  	s9 =	sadd.s32 $0xFFFFFEF7, lr;
	s5 =	simm.s32 $0xFFFFFFFF;
	p2 =	slt.u32 s8, $0xFFFFF086  }
0x1c: {  	p1 =	slt.u32 s9, $0xF7A;
	s5 =	simm.s32 @!p2 $0x0  }
0x1d: {  	s5 =	simm.s32 @p1 $0x1;
	p0 =	seq.s32 s7, s2  }
0x1e: {  	s7 =	smul.u32 @!p0 $0xF7A, s2;
	p2 =	seq.s32 @!p0 s5, $0x0  }
0x1f: {  	s9 =	smul.u32 $0xF7A, s1;
	s8 =	simm.s32 @!p0 $0x1BF5;
	p2 =	por !p2, p0  }
0x20: {  	[sflag:s8] =	ssyncset.s32 @!p0 $0xFFFFF086;
	s6 =	sadd.s32 @!p0 s3, s7;
	s7 =	simm.s32 @!p0 $0x108  }
0x21: {  	s3 =	sadd.s32 s3, s9;
	s6 =	sadd.s32 @!p0 $0x88, s6;
	s7 =	simm.s32 @p2 $0x1082  }
0x22: {  	[simem:s7], [sflag:s8] =	dma.local @!p0 [hbm:s6], $0xF7A  }
0x23: {  	s9 =	sor.u32 $0xD0000000, s2;
	s6 =	simm.s32 $0x108;
	_ =	swait.ge @!p0 [sflag:s8], $0x0  }
0x24: {  	s3 =	sadd.s32 $0x88, s3;
	s6 =	simm.s32 @!p1 $0x1082;
	[sflag:s4] =	ssyncset.s32 $0xFFFFF086  }
0x25: {  	[simem:s6], [sflag:s4] =	dma.local [hbm:s3], $0xF7A  }
0x26: {  	[smem:$0x3F9B] =	sst s1;
	(tag) =	ssettag s2;
	_ =	strace s9  }
0x27: {  	s1 =	sld [smem:$0x3FAB]  }
0x28: {  	s2 =	sld [smem:$0x3FAC]  }
0x29: {  	s4 =	sld [smem:$0x3FAE]  }
0x2a: {  	p0 =	seq.s32 s5, $0x0;
	s5 =	sld [smem:$0x3FAF]  }
0x2b: {  	s6 =	sld [smem:$0x3FB0]  }
0x2c: {  	s7 =	sld [smem:$0x3FB1]  }
0x2d: {  	s3 =	simm.s32 $0x108;
	s8 =	sld [smem:$0x3FB2]  }
0x2e: {  	s3 =	simm.s32 @!p0 $0x1082;
	s9 =	sld [smem:$0x3FB3]  }
0x2f: {  	lr =	sadd.s32 s0, s3;
	s0 =	sld [smem:$0x3FAA]  }
0x30: {  	s3 =	sld [smem:$0x3FAD]  }
0x31: {  	[smem:$0x3FB6] =	sst s10  }
0x32: {  	s10 =	sld [smem:$0x3FB4];
	_ =	sdelay $0x3  }
0x33: {  	p0 =	seq.s32 s10, $0x1;
	s10 =	sld [smem:$0x3FB6];
	_ =	sdelay $0x3  }
0x34: {  	[smem:$0x3FB6] =	sst s10  }
0x35: {  	s10 =	sld [smem:$0x3FB5];
	_ =	sdelay $0x3  }
0x36: {  	p1 =	seq.s32 s10, $0x1;
	s10 =	sld [smem:$0x3FB6];
	_ =	sdelay $0x3  }
0x37: {  	[smem:$0x3FB6] =	sst s10  }
0x38: {  	s10 =	sld [smem:$0x3FB7]  }
0x39: {  	_ = 	snop;
	(pc) =	sbr.ind lr, $3  }
0x3a: {  	_ = 	snop  }
0x3b: {  	_ = 	snop  }
0x3c: {  	p2 =	seq.s32 s10, $0x1;
	s10 =	sld [smem:$0x3FB6]  }
0x3d: {  	_ =	shalt  }
0x3e: {  	_ =	shalt  }
0x3f: {  	_ =	shalt  }
0x40: {  	_ =	shalt  }
0x41: {  	_ =	shalt  }
0x42: {  	_ =	shalt  }
0x43: {  	_ =	shalt  }
0x44: {  	_ =	shalt  }
0x45: {  	_ =	shalt  }
0x46: {  	_ =	shalt  }
0x47: {  	_ =	shalt  }
0x48: {  	_ =	shalt  }
0x49: {  	_ =	shalt  }
0x4a: {  	_ =	shalt  }
0x4b: {  	_ =	shalt  }
0x4c: {  	_ =	shalt  }
0x4d: {  	_ =	shalt  }
0x4e: {  	_ =	shalt  }
0x4f: {  	_ =	shalt  }
0x50: {  	_ =	shalt  }
0x51: {  	_ =	shalt  }
0x52: {  	_ =	shalt  }
0x53: {  	_ =	shalt  }
0x54: {  	_ =	shalt  }
0x55: {  	_ =	shalt  }
0x56: {  	_ =	shalt  }
0x57: {  	_ =	shalt  }
0x58: {  	_ =	shalt  }
0x59: {  	_ =	shalt  }
0x5a: {  	_ =	shalt  }
0x5b: {  	_ =	shalt  }
0x5c: {  	_ =	shalt  }
0x5d: {  	_ =	shalt  }
0x5e: {  	_ =	shalt  }
0x5f: {  	_ =	shalt  }
0x60: {  	_ =	shalt  }
0x61: {  	_ =	shalt  }
0x62: {  	_ =	shalt  }
0x63: {  	_ =	shalt  }
0x64: {  	_ =	shalt  }
0x65: {  	_ =	shalt  }
0x66: {  	_ =	shalt  }
0x67: {  	_ =	shalt  }
0x68: {  	_ =	shalt  }
0x69: {  	_ =	shalt  }
0x6a: {  	_ =	shalt  }
0x6b: {  	_ =	shalt  }
0x6c: {  	_ =	shalt  }
0x6d: {  	_ =	shalt  }
0x6e: {  	_ =	shalt  }
0x6f: {  	_ =	shalt  }
0x70: {  	_ =	shalt  }
0x71: {  	_ =	shalt  }
0x72: {  	_ =	shalt  }
0x73: {  	_ =	shalt  }
0x74: {  	_ =	shalt  }
0x75: {  	_ =	shalt  }
0x76: {  	_ =	shalt  }
0x77: {  	_ =	shalt  }
0x78: {  	_ =	shalt  }
0x79: {  	_ =	shalt  }
0x7a: {  	_ =	shalt  }
0x7b: {  	_ =	shalt  }
0x7c: {  	_ =	shalt  }
0x7d: {  	_ =	shalt  }
0x7e: {  	_ =	shalt  }
0x7f: {  	_ =	shalt  }
0x80: {  	_ =	shalt  }
0x81: {  	_ =	shalt  }
0x82: {  	_ =	shalt  }
0x83: {  	_ =	shalt  }
0x84: {  	_ =	shalt  }
0x85: {  	_ =	shalt  }
0x86: {  	_ =	shalt  }
0x87: {  	_ =	shalt  }
.Lfunc_end0:
.L_simem_size_0:
called_computation.2_lowered:
.L_overlay_start_0:
0x88: {  	s2 =	sld [smem:$0x3FD9]  }
0x89: {  	s3 =	sld [smem:$0x3FFE];
	_ =	sdelay $0x1  }
0x8a: {  	s1 =	srdreg.scid  }
0x8b: {  	s0 =	sand.u32 $0x1, s1  }
0x8c: {  	s17 =	sshll.u32 s0, $0xA;
	s2 =	sadd.s32 s3, s2  }
0x8d: {  	s2 =	sadd.s32 s2, s17  }
0x8e: {  	[smem:$0x3FC2] =	sst s2  }
0x8f: {  	_ = 	snop  }
0x90: {  	s2 =	sld [smem:$0x3FD0];
	(tm) =	ssettm $0x1  }
0x91: {  	s18 =	sld [smem:$0x3FFB];
	_ =	sdelay $0x3  }
0x92: {  	_ =	strace s18  }
0x93: {  	s3 =	sld [smem:$0x3FFC];
	_ =	sdelay $0x3  }
0x94: {  	_ =	strace s3  }
0x95: {  	s3 =	sld [smem:$0x3FFD];
	_ =	sdelay $0x3  }
0x96: {  	_ =	strace s3  }
0x97: {  	_ =	strace $0x8FFFFFFF  }
0x98: {  	s19 =	sld [smem:$0x3FDB];
	_ =	sdelay $0x1  }
0x99: {  	s4 =	simm.s32 $_scs_section_size  }
0x9a: {  	s5 =	simm.s32 $_size__tile_overlayer_lowered;
	s6 =	simm.s32 $_tile_overlayer_lowered  }
0x9b: {  	s22 =	simm.s32 $0x1BFF;
	s21 =	sshll.u32 s6, $0x1;
	s3 =	sadd.s32 s4, s19  }
0x9c: {  	s7 =	simm.s32 $0x0;
	s20 =	sshll.u32 s5, $0x1;
	s5 =	sadd.s32 s21, s3  }
0x9d: {  	[timem:s7], [sflag:s22] =	dma.local [hbm:s5], s20  }
0x9e: {  	_ =	swait.ge [sflag:s22], s20  }
0x9f: {  	s4 =	ssub.s32 $0x0, s20;
	[sflag:s22] =	ssyncset.done $0x0  }
0xa0: {  	[sflag:s22] =	ssyncadd.s32 s4;
	_ =	sdelay $0x1  }
0xa1: {  	s23 =	simm.s32 $0x1B8B  }
0xa2: {  	_ =	swait.ge [sflag:s23], $0x1  }
0xa3: {  	[sflag:s23] =	ssyncset.done $0x0  }
0xa4: {  	s25 =	simm.s32 $0x1B8E;
	s24 =	sld [smem:$0x3FFE];
	[sflag:s23] =	ssyncadd.s32 $0xFFFFFFFF  }
0xa5: {  	s26 =	simm.s32 $execute0_lowered;
	[smem:$0x3FD2] =	sst s25  }
0xa6: {  	s5 =	sshll.u32 s26, $0x1;
	_ =	strace $0x8000004C;
	[dreg:$0x1] =	wrdreg $0xFFFFFFFF  }
0xa7: {  	s28 =	simm.s32 $_size_execute0_lowered;
	s3 =	sadd.s32 s3, s5;
	[dreg:$0x0] =	wrdreg $0x0  }
0xa8: {  	s5 =	sshll.u32 s28, $0x1;
	[dreg:$0x2] =	wrdreg s3  }
0xa9: {  	[dreg:$0x3] =	wrdreg s5  }
0xaa: {  	[dreg:$0x4] =	wrdreg $0xC0  }
0xab: {  	_ =	task [dreg:s7], $0x5FFFF  }
0xac: {  	[dreg:$0x1] =	wrdreg $0xFFFFFFFF  }
0xad: {  	[dreg:$0x0] =	wrdreg $0x60  }
0xae: {  	[dreg:$0x2] =	wrdreg s2  }
0xaf: {  	[dreg:$0x3] =	wrdreg s24  }
0xb0: {  	[dreg:$0x4] =	wrdreg $0xD8000  }
0xb1: {  	[dreg:$0x5] =	wrdreg $0x9  }
0xb2: {  	_ =	task.clear_ibuf [dreg:s7], $0x6FFFF;
	_ =	strace $0x9000004C  }
0xb3: {  	s29 =	simm.s32 $0x9;
	_ =	strace $0x8000004E  }
0xb4: {  	_ =	swait.ge [sflag:s29], $0x1  }
0xb5: {  	[sflag:s29] =	ssyncadd.s32 $0xFFFFFFFF  }
0xb6: {  	_ =	strace $0x9000004E  }
0xb7: {  	_ =	sfence  }
0xb8: {  	s30 =	sld [smem:$0x0];
	_ =	sdelay $0x2  }
0xb9: {  	s31 =	sshll.u32 s1, $0xD;
	s1 =	sshrl.u32 s1, $0x2  }
0xba: {  	s3 =	sand.u32 $0x4000, s31;
	s1 =	sadd.s32 s1, s30  }
0xbb: {  	s0 =	sor.u32 s3, s0;
	s1 =	sshll.u32 s1, $0x11  }
0xbc: {  	s0 =	sor.u32 s1, s0  }
0xbd: {  	s0 =	sadd.s32 $0x8F2B, s0  }
0xbe: {  	[sflag:s0] =	ssyncadd.remote.s32 $0x1  }
0xbf: {  	_ =	sfence.sel $0xFFFF  }
0xc0: {  	[dreg:$0x0] =	wrdreg $0xFFFFFFFF;
	(pc) =	sbr.abs _section_cstart, $3  }
0xc1: {  	[dreg:$0x1] =	wrdreg $0xFFFFFFFF  }
0xc2: {  	_ =	task.clear_ibuf [dreg:s7], $0x2FFFF;
	_ =	strace $0x9FFFFFFF  }
0xc3: {  	(tm) =	ssettm $0x7FFFFFFF  }
tec
execute0_lowered:
.L_overlay_start_1:
0x0: {  	(tag) =	ssettag $0x1  }
0x1: {  	s2 =	rddreg [dreg:$0x0]  }
0x2: {  	s0 =	srdreg.scid;
	s5 =	rddreg [dreg:$0x1]  }
0x3: {  	s8 =	stileid.u32;
	s3 =	rddreg [dreg:$0x2]  }
0x4: {  	s4 =	simm.s32 $0x0;
	s14 =	simm.s32 $0xD000;
	s15 =	simm.s32 $0x3  }
0x5: {  	s16 =	simm.s32 $0x2800;
	s17 =	simm.s32 $0x400;
	s18 =	simm.s32 $0x5000  }
0x6: {  	s19 =	simm.s32 $0x9000;
	s20 =	simm.s32 $0x1;
	s22 =	simm.s32 $0x2  }
0x7: {  	s21 =	simm.s32 $0x4000;
	s23 =	simm.s32 $0x2000;
	s24 =	simm.s32 $0x4400  }
0x8: {  	s25 =	simm.s32 $0x2400;
	s26 =	simm.s32 $0x4800;
	s28 =	simm.s32 $0x4C00  }
0x9: {  	s29 =	simm.s32 $0x0;
	s0 =	sand.u32 $0x1, s0;
	s6 =	smul.u32 $0x2800, s8  }
0xa: {  	[smem:$0x7FF] =	sst s4;
	s1 =	sshll.u32 s0, $0x4;
	s7 =	smul.u32 $0x28000, s0  }
0xb: {  	_ =	strace $0x8000004D;
	s0 =	ssub.s32 $0x2, s0;
	s1 =	sor.u32 s8, s1  }
0xc: {  	s8 =	smul.u32 $0xA000, s8;
	s31 =	sshrl.u32 s0, $0x1;
	s7 =	sadd.s32 s6, s7  }
0xd: {  	s1 =	smul.u32 $0x500, s1;
	s0 =	ssub.s32 s0, s31;
	s7 =	sshrl.u32 s7, $0x3  }
0xe: {  	s8 =	sshrl.u32 s8, $0x2;
	s13 =	smax.u32 s0, $0x1;
	s0 =	simm.s32 $0x1C00  }
0xf: {  	s1 =	sadd.s32 s1, s5;
	s12 =	sadd.s32 s7, s5;
	s9 =	sadd.s32 s8, s3  }
0x10: {  	s5 =	sadd.s32 s6, s3;
	s6 =	sadd.s32 $0x800, s9;
	s7 =	sadd.s32 $0x1000, s9  }
0x11: {  	s8 =	sadd.s32 $0x1800, s9;
	s9 =	sadd.s32 $0x2000, s9;
	s10 =	sadd.s32 $0xB200, s1  }
0x12: {  	v0 =	vimm.f32 $0.0e+00;
	s11 =	sadd.s32 $0x1200, s1;
	s12 =	sadd.s32 $0x15200, s12;
	s1 =	simm.s32 $0x3C00  }
.LBB2_1:
0x13: {  	s30 =	simm.s32 $0x40;
	s31 =	simm.s32 $0x0  }
.LBB2_2:
0x14: {  	p0 =	sne.s32 s30, $0x1FC0;
	[tilespmem:s31+$0xD000] =	vst v0;
	s31 =	smov.u32 s30;
	s30 =	sadd.s32 $0x40, s30  }
.Ltmp0:
0x15: {  	(pc) =	sbr.rel @p0 .LBB2_2-.Ltmp0, $2  }
0x16: {  	_ =	sdelay $0x2  }
0x17: {  	s31 =	sshra.s32 s31, $0x2  }
0x18: {  	[tilespmem:s31+$0xD000] =	vst v0  }
0x19: {  	[spmem:s5] =	stream.linear.scatter [tilespmem:s14], [sflag:$0x3], $0x800, $0x38;
	[tilespmem:$0x10000] =	vst v63  }
0x1a: {  	_ =	swait.ge [sflag:s15], $0x800  }
0x1b: {  	[sflag:s15] =	ssyncset.done $0x0  }
0x1c: {  	[sflag:s15] =	ssyncadd.s32 $0xFFFFF800  }
0x1d: {  	[spmem:s6] =	stream.linear.scatter [tilespmem:s14], [sflag:$0x3], $0x800, $0x38;
	[tilespmem:$0x10000] =	vst v63  }
0x1e: {  	_ =	swait.ge [sflag:s15], $0x800  }
0x1f: {  	[sflag:s15] =	ssyncset.done $0x0  }
0x20: {  	[sflag:s15] =	ssyncadd.s32 $0xFFFFF800  }
0x21: {  	[spmem:s7] =	stream.linear.scatter [tilespmem:s14], [sflag:$0x3], $0x800, $0x38;
	[tilespmem:$0x10000] =	vst v63  }
0x22: {  	_ =	swait.ge [sflag:s15], $0x800  }
0x23: {  	[sflag:s15] =	ssyncset.done $0x0  }
0x24: {  	[sflag:s15] =	ssyncadd.s32 $0xFFFFF800  }
0x25: {  	[spmem:s8] =	stream.linear.scatter [tilespmem:s14], [sflag:$0x3], $0x800, $0x38;
	[tilespmem:$0x10000] =	vst v63  }
0x26: {  	_ =	swait.ge [sflag:s15], $0x800  }
0x27: {  	[sflag:s15] =	ssyncset.done $0x0  }
0x28: {  	[sflag:s15] =	ssyncadd.s32 $0xFFFFF800  }
0x29: {  	[spmem:s9] =	stream.linear.scatter [tilespmem:s14], [sflag:$0x3], $0x800, $0x38;
	[tilespmem:$0x10000] =	vst v63  }
0x2a: {  	_ =	swait.ge [sflag:s15], $0x800  }
0x2b: {  	[sflag:s15] =	ssyncset.done $0x0  }
0x2c: {  	[sflag:s15] =	ssyncadd.s32 $0xFFFFF800  }
0x2d: {  	[bflag:$0x0] =	sbarrier.arrive $0xFFFF  }
0x2e: {  	[tilespmem:s4], [sflag:$0x3] =	stream.linear.gather [hbm4b:s10+s4], $0x2800, $0x38;
	[tilespmem:$0x10000] =	vst v63  }
0x2f: {  	_ =	swait.ge [sflag:s15], $0x2800  }
0x30: {  	[sflag:s15] =	ssyncset.done $0x0  }
0x31: {  	[sflag:s15] =	ssyncadd.s32 $0xFFFFD800  }
0x32: {  	[tilespmem:s16], [sflag:$0x3] =	stream.linear.gather [hbm4b:s11+s4], $0x2800, $0x38;
	[tilespmem:$0x10000] =	vst v63  }
0x33: {  	_ =	swait.ge [sflag:s15], $0x2800  }
0x34: {  	[sflag:s15] =	ssyncset.done $0x0  }
0x35: {  	[sflag:s15] =	ssyncadd.s32 $0xFFFFD800  }
0x36: {  	[tilespmem:s18], [sflag:$0x1] =	stream.indirect.gather [hbm4b:s2+s17], $0x10, s4, s17, $0xb8;
	[tilespmem:$0x10000] =	vst v63  }
0x37: {  	_ = 	snop  }
0x38: {  	[tilespmem:s19], [sflag:$0x2] =	stream.indirect.gather [hbm4b:s2+s17], $0x10, s17, s17, $0xb8;
	[tilespmem:$0x10000] =	vst v63  }
0x39: {  	_ =	swait.ge [sflag:s20], $0x4000  }
0x3a: {  	[sflag:s20] =	ssyncset.done $0x0  }
0x3b: {  	[sflag:s20] =	ssyncadd.s32 $0xFFFFC000  }
0x3c: {  	[spmem:s3] =	stream.indirect.scatter.add.f32 [tilespmem:s18], [sflag:$0x3], $0x10, s16, s17, $0xb8;
	[tilespmem:$0x10000] =	vst v63  }
0x3d: {  	_ =	swait.ge [sflag:s15], $0x4000  }
0x3e: {  	[sflag:s15] =	ssyncset.done $0x0  }
0x3f: {  	s30 =	simm.s32 $0x800;
	[sflag:s15] =	ssyncadd.s32 $0xFFFFC000  }
0x40: {  	[tilespmem:s18], [sflag:$0x1] =	stream.indirect.gather [hbm4b:s2+s17], $0x10, s30, s17, $0xb8;
	[tilespmem:$0x10000] =	vst v63  }
0x41: {  	_ =	swait.ge [sflag:s22], $0x4000  }
0x42: {  	[sflag:s22] =	ssyncset.done $0x0  }
0x43: {  	s31 =	simm.s32 $0x2C00;
	[sflag:s22] =	ssyncadd.s32 $0xFFFFC000  }
0x44: {  	[spmem:s3] =	stream.indirect.scatter.add.f32 [tilespmem:s19], [sflag:$0x3], $0x10, s31, s17, $0xb8;
	[tilespmem:$0x10000] =	vst v63  }
0x45: {  	_ =	swait.ge [sflag:s15], $0x4000  }
0x46: {  	[sflag:s15] =	ssyncset.done $0x0  }
0x47: {  	s31 =	simm.s32 $0xC00;
	[sflag:s15] =	ssyncadd.s32 $0xFFFFC000  }
0x48: {  	[tilespmem:s19], [sflag:$0x2] =	stream.indirect.gather [hbm4b:s2+s17], $0x10, s31, s17, $0xb8;
	[tilespmem:$0x10000] =	vst v63  }
0x49: {  	_ =	swait.ge [sflag:s20], $0x4000  }
0x4a: {  	[sflag:s20] =	ssyncset.done $0x0  }
0x4b: {  	s31 =	simm.s32 $0x3000;
	[sflag:s20] =	ssyncadd.s32 $0xFFFFC000  }
0x4c: {  	[spmem:s3] =	stream.indirect.scatter.add.f32 [tilespmem:s18], [sflag:$0x3], $0x10, s31, s17, $0xb8;
	[tilespmem:$0x10000] =	vst v63  }
0x4d: {  	_ =	swait.ge [sflag:s15], $0x4000  }
0x4e: {  	[sflag:s15] =	ssyncset.done $0x0  }
0x4f: {  	s31 =	simm.s32 $0x1000;
	[sflag:s15] =	ssyncadd.s32 $0xFFFFC000  }
0x50: {  	[tilespmem:s18], [sflag:$0x1] =	stream.indirect.gather [hbm4b:s2+s17], $0x10, s31, s17, $0xb8;
	[tilespmem:$0x10000] =	vst v63  }
0x51: {  	_ =	swait.ge [sflag:s22], $0x4000  }
0x52: {  	[sflag:s22] =	ssyncset.done $0x0  }
0x53: {  	s31 =	simm.s32 $0x3400;
	[sflag:s22] =	ssyncadd.s32 $0xFFFFC000  }
0x54: {  	[spmem:s3] =	stream.indirect.scatter.add.f32 [tilespmem:s19], [sflag:$0x3], $0x10, s31, s17, $0xb8;
	[tilespmem:$0x10000] =	vst v63  }
0x55: {  	_ =	swait.ge [sflag:s15], $0x4000  }
0x56: {  	[sflag:s15] =	ssyncset.done $0x0  }
0x57: {  	s31 =	simm.s32 $0x1400;
	[sflag:s15] =	ssyncadd.s32 $0xFFFFC000  }
0x58: {  	[tilespmem:s19], [sflag:$0x2] =	stream.indirect.gather [hbm4b:s2+s17], $0x10, s31, s17, $0xb8;
	[tilespmem:$0x10000] =	vst v63  }
0x59: {  	_ =	swait.ge [sflag:s20], $0x4000  }
0x5a: {  	[sflag:s20] =	ssyncset.done $0x0  }
0x5b: {  	s31 =	simm.s32 $0x3800;
	[sflag:s20] =	ssyncadd.s32 $0xFFFFC000  }
0x5c: {  	[spmem:s3] =	stream.indirect.scatter.add.f32 [tilespmem:s18], [sflag:$0x3], $0x10, s31, s17, $0xb8;
	[tilespmem:$0x10000] =	vst v63  }
0x5d: {  	_ =	swait.ge [sflag:s15], $0x4000  }
0x5e: {  	[sflag:s15] =	ssyncset.done $0x0  }
0x5f: {  	s31 =	simm.s32 $0x1800;
	[sflag:s15] =	ssyncadd.s32 $0xFFFFC000  }
0x60: {  	[tilespmem:s18], [sflag:$0x1] =	stream.indirect.gather [hbm4b:s2+s17], $0x10, s31, s17, $0xb8;
	[tilespmem:$0x10000] =	vst v63  }
0x61: {  	_ =	swait.ge [sflag:s22], $0x4000  }
0x62: {  	[sflag:s22] =	ssyncset.done $0x0  }
0x63: {  	[sflag:s22] =	ssyncadd.s32 $0xFFFFC000  }
0x64: {  	[spmem:s3] =	stream.indirect.scatter.add.f32 [tilespmem:s19], [sflag:$0x3], $0x10, s1, s17, $0xb8;
	[tilespmem:$0x10000] =	vst v63  }
0x65: {  	_ =	swait.ge [sflag:s15], $0x4000  }
0x66: {  	[sflag:s15] =	ssyncset.done $0x0  }
0x67: {  	[sflag:s15] =	ssyncadd.s32 $0xFFFFC000  }
0x68: {  	[tilespmem:s19], [sflag:$0x2] =	stream.indirect.gather [hbm4b:s2+s17], $0x10, s0, s17, $0xb8;
	[tilespmem:$0x10000] =	vst v63  }
0x69: {  	_ =	swait.ge [sflag:s20], $0x4000  }
0x6a: {  	[sflag:s20] =	ssyncset.done $0x0  }
0x6b: {  	[sflag:s20] =	ssyncadd.s32 $0xFFFFC000  }
0x6c: {  	[spmem:s3] =	stream.indirect.scatter.add.f32 [tilespmem:s18], [sflag:$0x3], $0x10, s21, s17, $0xb8;
	[tilespmem:$0x10000] =	vst v63  }
0x6d: {  	_ =	swait.ge [sflag:s15], $0x4000  }
0x6e: {  	[sflag:s15] =	ssyncset.done $0x0  }
0x6f: {  	[sflag:s15] =	ssyncadd.s32 $0xFFFFC000  }
0x70: {  	[tilespmem:s18], [sflag:$0x1] =	stream.indirect.gather [hbm4b:s2+s17], $0x10, s23, s17, $0xb8;
	[tilespmem:$0x10000] =	vst v63  }
0x71: {  	_ =	swait.ge [sflag:s22], $0x4000  }
0x72: {  	[sflag:s22] =	ssyncset.done $0x0  }
0x73: {  	[sflag:s22] =	ssyncadd.s32 $0xFFFFC000  }
0x74: {  	[spmem:s3] =	stream.indirect.scatter.add.f32 [tilespmem:s19], [sflag:$0x3], $0x10, s24, s17, $0xb8;
	[tilespmem:$0x10000] =	vst v63  }
0x75: {  	_ =	swait.ge [sflag:s15], $0x4000  }
0x76: {  	[sflag:s15] =	ssyncset.done $0x0  }
0x77: {  	[sflag:s15] =	ssyncadd.s32 $0xFFFFC000  }
0x78: {  	[tilespmem:s19], [sflag:$0x2] =	stream.indirect.gather [hbm4b:s2+s17], $0x10, s25, s17, $0xb8;
	[tilespmem:$0x10000] =	vst v63  }
0x79: {  	_ =	swait.ge [sflag:s20], $0x4000  }
0x7a: {  	[sflag:s20] =	ssyncset.done $0x0  }
0x7b: {  	[sflag:s20] =	ssyncadd.s32 $0xFFFFC000  }
0x7c: {  	[spmem:s3] =	stream.indirect.scatter.add.f32 [tilespmem:s18], [sflag:$0x3], $0x10, s26, s17, $0xb8;
	[tilespmem:$0x10000] =	vst v63  }
0x7d: {  	_ =	swait.ge [sflag:s15], $0x4000  }
0x7e: {  	[sflag:s15] =	ssyncset.done $0x0  }
0x7f: {  	[sflag:s15] =	ssyncadd.s32 $0xFFFFC000  }
0x80: {  	_ =	swait.ge [sflag:s22], $0x4000  }
0x81: {  	[sflag:s22] =	ssyncset.done $0x0  }
0x82: {  	[sflag:s22] =	ssyncadd.s32 $0xFFFFC000  }
0x83: {  	[spmem:s3] =	stream.indirect.scatter.add.f32 [tilespmem:s19], [sflag:$0x3], $0x10, s28, s17, $0xb8;
	[tilespmem:$0x10000] =	vst v63  }
0x84: {  	s29 =	sadd.s32 $0x1, s29;
	_ =	swait.ge [sflag:s15], $0x4000  }
0x85: {  	p0 =	sne.s32 s29, s13;
	s31 =	stileid.u32;
	[sflag:s15] =	ssyncset.done $0x0  }
0x86: {  	s30 =	sshll.u32 s31, $0x6;
	s31 =	sshrl.u32 s5, $0x3;
	[sflag:s15] =	ssyncadd.s32 $0xFFFFC000  }
.Ltmp1:
0x87: {  	s30 =	sor.u32 $0x1C03, s30;
	[bflag:$0x0] =	sbarrier.arrive $0xFFFF;
	(pc) =	sbr.rel @p0 .LBB2_1-.Ltmp1, $4  }
0x88: {  	[hbm:s12], [sflag:s30] =	dma.local [spmem:s31], $0x500  }
0x89: {  	_ =	swait.ge [sflag:s15], $0x500  }
0x8a: {  	[sflag:s15] =	ssyncset.done $0x0  }
0x8b: {  	[sflag:s15] =	ssyncadd.s32 $0xFFFFFB00  }
0x8c: {  	_ =	sfence.sel $0x180000  }
0x8d: {  	[bflag:$0x0] =	sbarrier.arrive $0xFFFF  }
0x8e: {  	_ =	strace $0x9000004D  }
0x8f: {  	s0 =	stileid.u32;
	[bflag:$0x2] =	sbarrier.arrive $0xFFFF  }
0x90: {  	p0 =	sne.s32 s0, $0x0;
	s0 =	rddreg [dreg:$0x3]  }
0x91: {  	s0 =	sadd.s32 @!p0 $0x100000, s0  }
0x92: {  	[sflag:s0] =	ssyncadd.tile.s32 @!p0 $0x1;
	_ =	shalt  }
.Lfunc_end2:
_tile_overlayer_lowered:
.L_overlay_start_2:
0x93: {  	(tag) =	ssettag $0x2  }
0x94: {  	s0 =	rddreg [dreg:$0x0];
	s2 =	stileid.u32  }
0x95: {  	s1 =	rddreg [dreg:$0x1];
	p0 =	sne.s32 s2, $0x0  }
0x96: {  	s3 =	rddreg [dreg:$0x2];
	[bflag:$0x3] =	sbarrier.arrive $0xFFFF;
	s2 =	simm.s32 @!p0 $0x1C03  }
0x97: {  	[timem:s3], [sflag:s2] =	dma.local @!p0 [hbm:s0], s1  }
0x98: {  	s0 =	simm.s32 @!p0 $0x3  }
0x99: {  	_ =	swait.ge @!p0 [sflag:s0], s1  }
0x9a: {  	s1 =	ssub.s32 @!p0 $0x0, s1;
	[sflag:s0] =	ssyncset.done @!p0 $0x0  }
0x9b: {  	[sflag:s0] =	ssyncadd.s32 @!p0 s1  }
0x9c: {  	[bflag:$0x3] =	sbarrier.arrive $0xFFFF  }
0x9d: {  	_ =	shalt  }

// kernel: kernel.8.cloned.1.call-start
scs
__scs_entry_jumppad:
0x0: {  	(pc) =	sbr.rel $0x88, $3  }
0x1: {  	(tag) =	ssettag $0x0;
	lr =	simm.s32 $0x1  }
0x2: {  	[smem:$0x3F9B] =	sst lr;
	_ =	strace $0xD0000000  }
0x3: {  	_ = 	snop  }
0x4: {  	_ = 	snop  }
0x5: {  	_ = 	snop  }
0x6: {  	_ = 	snop  }
0x7: {  	_ = 	snop  }
__scs_overlays_trampoline_lowered:
0x8: {  	[smem:$0x3FAA] =	sst s0  }
0x9: {  	[smem:$0x3FAB] =	sst s1  }
0xa: {  	[smem:$0x3FAC] =	sst s2  }
0xb: {  	[smem:$0x3FAD] =	sst s3  }
0xc: {  	[smem:$0x3FAE] =	sst s4  }
0xd: {  	[smem:$0x3FAF] =	sst s5  }
0xe: {  	[smem:$0x3FB0] =	sst s6  }
0xf: {  	[smem:$0x3FB1] =	sst s7  }
0x10: {  	[smem:$0x3FB2] =	sst s8  }
0x11: {  	[smem:$0x3FB3] =	sst s9;
	s0 =	simm.s32 @!p0 $0x0  }
0x12: {  	s1 =	sld [smem:$0x3F99];
	s0 =	simm.s32 @p0 $0x1  }
0x13: {  	[smem:$0x3FB4] =	sst s0;
	s0 =	simm.s32 @!p1 $0x0  }
0x14: {  	s2 =	sld [smem:$0x3F98];
	s0 =	simm.s32 @p1 $0x1  }
0x15: {  	[smem:$0x3FB5] =	sst s0;
	s0 =	simm.s32 @!p2 $0x0  }
0x16: {  	s3 =	sld [smem:$0x3FDB];
	s0 =	simm.s32 @p2 $0x1  }
0x17: {  	s4 =	simm.s32 $0x1BF5;
	[smem:$0x3FB7] =	sst s0  }
0x18: {  	s0 =	sld [smem:$0x3F9A];
	_ =	swait.ge [sflag:s4], $0x0  }
0x19: {  	s7 =	sld [smem:$0x3F9B]  }
0x1a: {  	s8 =	sadd.s32 $0xFFFFE003, lr  }
0x1b: {  	s9 =	sadd.s32 $0xFFFFFEF7, lr;
	s5 =	simm.s32 $0xFFFFFFFF;
	p2 =	slt.u32 s8, $0xFFFFF086  }
0x1c: {  	p1 =	slt.u32 s9, $0xF7A;
	s5 =	simm.s32 @!p2 $0x0  }
0x1d: {  	s5 =	simm.s32 @p1 $0x1;
	p0 =	seq.s32 s7, s2  }
0x1e: {  	s7 =	smul.u32 @!p0 $0xF7A, s2;
	p2 =	seq.s32 @!p0 s5, $0x0  }
0x1f: {  	s9 =	smul.u32 $0xF7A, s1;
	s8 =	simm.s32 @!p0 $0x1BF5;
	p2 =	por !p2, p0  }
0x20: {  	[sflag:s8] =	ssyncset.s32 @!p0 $0xFFFFF086;
	s6 =	sadd.s32 @!p0 s3, s7;
	s7 =	simm.s32 @!p0 $0x108  }
0x21: {  	s3 =	sadd.s32 s3, s9;
	s6 =	sadd.s32 @!p0 $0x88, s6;
	s7 =	simm.s32 @p2 $0x1082  }
0x22: {  	[simem:s7], [sflag:s8] =	dma.local @!p0 [hbm:s6], $0xF7A  }
0x23: {  	s9 =	sor.u32 $0xD0000000, s2;
	s6 =	simm.s32 $0x108;
	_ =	swait.ge @!p0 [sflag:s8], $0x0  }
0x24: {  	s3 =	sadd.s32 $0x88, s3;
	s6 =	simm.s32 @!p1 $0x1082;
	[sflag:s4] =	ssyncset.s32 $0xFFFFF086  }
0x25: {  	[simem:s6], [sflag:s4] =	dma.local [hbm:s3], $0xF7A  }
0x26: {  	[smem:$0x3F9B] =	sst s1;
	(tag) =	ssettag s2;
	_ =	strace s9  }
0x27: {  	s1 =	sld [smem:$0x3FAB]  }
0x28: {  	s2 =	sld [smem:$0x3FAC]  }
0x29: {  	s4 =	sld [smem:$0x3FAE]  }
0x2a: {  	p0 =	seq.s32 s5, $0x0;
	s5 =	sld [smem:$0x3FAF]  }
0x2b: {  	s6 =	sld [smem:$0x3FB0]  }
0x2c: {  	s7 =	sld [smem:$0x3FB1]  }
0x2d: {  	s3 =	simm.s32 $0x108;
	s8 =	sld [smem:$0x3FB2]  }
0x2e: {  	s3 =	simm.s32 @!p0 $0x1082;
	s9 =	sld [smem:$0x3FB3]  }
0x2f: {  	lr =	sadd.s32 s0, s3;
	s0 =	sld [smem:$0x3FAA]  }
0x30: {  	s3 =	sld [smem:$0x3FAD]  }
0x31: {  	[smem:$0x3FB6] =	sst s10  }
0x32: {  	s10 =	sld [smem:$0x3FB4];
	_ =	sdelay $0x3  }
0x33: {  	p0 =	seq.s32 s10, $0x1;
	s10 =	sld [smem:$0x3FB6];
	_ =	sdelay $0x3  }
0x34: {  	[smem:$0x3FB6] =	sst s10  }
0x35: {  	s10 =	sld [smem:$0x3FB5];
	_ =	sdelay $0x3  }
0x36: {  	p1 =	seq.s32 s10, $0x1;
	s10 =	sld [smem:$0x3FB6];
	_ =	sdelay $0x3  }
0x37: {  	[smem:$0x3FB6] =	sst s10  }
0x38: {  	s10 =	sld [smem:$0x3FB7]  }
0x39: {  	_ = 	snop;
	(pc) =	sbr.ind lr, $3  }
0x3a: {  	_ = 	snop  }
0x3b: {  	_ = 	snop  }
0x3c: {  	p2 =	seq.s32 s10, $0x1;
	s10 =	sld [smem:$0x3FB6]  }
0x3d: {  	_ =	shalt  }
0x3e: {  	_ =	shalt  }
0x3f: {  	_ =	shalt  }
0x40: {  	_ =	shalt  }
0x41: {  	_ =	shalt  }
0x42: {  	_ =	shalt  }
0x43: {  	_ =	shalt  }
0x44: {  	_ =	shalt  }
0x45: {  	_ =	shalt  }
0x46: {  	_ =	shalt  }
0x47: {  	_ =	shalt  }
0x48: {  	_ =	shalt  }
0x49: {  	_ =	shalt  }
0x4a: {  	_ =	shalt  }
0x4b: {  	_ =	shalt  }
0x4c: {  	_ =	shalt  }
0x4d: {  	_ =	shalt  }
0x4e: {  	_ =	shalt  }
0x4f: {  	_ =	shalt  }
0x50: {  	_ =	shalt  }
0x51: {  	_ =	shalt  }
0x52: {  	_ =	shalt  }
0x53: {  	_ =	shalt  }
0x54: {  	_ =	shalt  }
0x55: {  	_ =	shalt  }
0x56: {  	_ =	shalt  }
0x57: {  	_ =	shalt  }
0x58: {  	_ =	shalt  }
0x59: {  	_ =	shalt  }
0x5a: {  	_ =	shalt  }
0x5b: {  	_ =	shalt  }
0x5c: {  	_ =	shalt  }
0x5d: {  	_ =	shalt  }
0x5e: {  	_ =	shalt  }
0x5f: {  	_ =	shalt  }
0x60: {  	_ =	shalt  }
0x61: {  	_ =	shalt  }
0x62: {  	_ =	shalt  }
0x63: {  	_ =	shalt  }
0x64: {  	_ =	shalt  }
0x65: {  	_ =	shalt  }
0x66: {  	_ =	shalt  }
0x67: {  	_ =	shalt  }
0x68: {  	_ =	shalt  }
0x69: {  	_ =	shalt  }
0x6a: {  	_ =	shalt  }
0x6b: {  	_ =	shalt  }
0x6c: {  	_ =	shalt  }
0x6d: {  	_ =	shalt  }
0x6e: {  	_ =	shalt  }
0x6f: {  	_ =	shalt  }
0x70: {  	_ =	shalt  }
0x71: {  	_ =	shalt  }
0x72: {  	_ =	shalt  }
0x73: {  	_ =	shalt  }
0x74: {  	_ =	shalt  }
0x75: {  	_ =	shalt  }
0x76: {  	_ =	shalt  }
0x77: {  	_ =	shalt  }
0x78: {  	_ =	shalt  }
0x79: {  	_ =	shalt  }
0x7a: {  	_ =	shalt  }
0x7b: {  	_ =	shalt  }
0x7c: {  	_ =	shalt  }
0x7d: {  	_ =	shalt  }
0x7e: {  	_ =	shalt  }
0x7f: {  	_ =	shalt  }
0x80: {  	_ =	shalt  }
0x81: {  	_ =	shalt  }
0x82: {  	_ =	shalt  }
0x83: {  	_ =	shalt  }
0x84: {  	_ =	shalt  }
0x85: {  	_ =	shalt  }
0x86: {  	_ =	shalt  }
0x87: {  	_ =	shalt  }
.Lfunc_end0:
.L_simem_size_0:
called_computation_lowered:
.L_overlay_start_0:
0x88: {  	s2 =	sld [smem:$0x3FD9]  }
0x89: {  	s3 =	sld [smem:$0x3FFE];
	_ =	sdelay $0x1  }
0x8a: {  	s1 =	srdreg.scid  }
0x8b: {  	s0 =	sand.u32 $0x1, s1  }
0x8c: {  	s16 =	sshll.u32 s0, $0xA;
	s2 =	sadd.s32 s3, s2  }
0x8d: {  	s2 =	sadd.s32 s2, s16  }
0x8e: {  	[smem:$0x3FC2] =	sst s2  }
0x8f: {  	_ = 	snop  }
0x90: {  	(tm) =	ssettm $0x1  }
0x91: {  	s17 =	sld [smem:$0x3FFB];
	_ =	sdelay $0x3  }
0x92: {  	_ =	strace s17  }
0x93: {  	s2 =	sld [smem:$0x3FFC];
	_ =	sdelay $0x3  }
0x94: {  	_ =	strace s2  }
0x95: {  	s2 =	sld [smem:$0x3FFD];
	_ =	sdelay $0x3  }
0x96: {  	_ =	strace s2  }
0x97: {  	_ =	strace $0x8FFFFFFF  }
0x98: {  	s18 =	sld [smem:$0x3FDB];
	_ =	sdelay $0x1  }
0x99: {  	s19 =	simm.s32 $_scs_section_size  }
0x9a: {  	s4 =	simm.s32 $_size__tile_overlayer_lowered;
	s5 =	simm.s32 $_tile_overlayer_lowered  }
0x9b: {  	s22 =	simm.s32 $0x1BFF;
	s21 =	sshll.u32 s5, $0x1;
	s2 =	sadd.s32 s19, s18  }
0x9c: {  	s6 =	simm.s32 $0x0;
	s20 =	sshll.u32 s4, $0x1;
	s4 =	sadd.s32 s21, s2  }
0x9d: {  	[timem:s6], [sflag:s22] =	dma.local [hbm:s4], s20  }
0x9e: {  	_ =	swait.ge [sflag:s22], s20  }
0x9f: {  	s3 =	ssub.s32 $0x0, s20;
	[sflag:s22] =	ssyncset.done $0x0  }
0xa0: {  	[sflag:s22] =	ssyncadd.s32 s3;
	_ =	sdelay $0x1  }
0xa1: {  	s23 =	simm.s32 $0x1B8B  }
0xa2: {  	_ =	swait.ge [sflag:s23], $0x1  }
0xa3: {  	[sflag:s23] =	ssyncset.done $0x0  }
0xa4: {  	s25 =	simm.s32 $0x1B8E;
	s24 =	sld [smem:$0x3FFE];
	[sflag:s23] =	ssyncadd.s32 $0xFFFFFFFF  }
0xa5: {  	s26 =	simm.s32 $execute0_lowered;
	[smem:$0x3FD2] =	sst s25  }
0xa6: {  	s4 =	sshll.u32 s26, $0x1;
	_ =	strace $0x80000046;
	[dreg:$0x1] =	wrdreg $0xFFFFFFFF  }
0xa7: {  	s28 =	simm.s32 $_size_execute0_lowered;
	s2 =	sadd.s32 s2, s4;
	[dreg:$0x0] =	wrdreg $0x0  }
0xa8: {  	s4 =	sshll.u32 s28, $0x1;
	[dreg:$0x2] =	wrdreg s2  }
0xa9: {  	[dreg:$0x3] =	wrdreg s4  }
0xaa: {  	[dreg:$0x4] =	wrdreg $0xC0  }
0xab: {  	_ =	task [dreg:s6], $0x5FFFF  }
0xac: {  	[dreg:$0x1] =	wrdreg $0xFFFFFFFF  }
0xad: {  	[dreg:$0x0] =	wrdreg $0x60  }
0xae: {  	[dreg:$0x2] =	wrdreg s24  }
0xaf: {  	[dreg:$0x3] =	wrdreg $0x70000  }
0xb0: {  	[dreg:$0x4] =	wrdreg $0x9  }
0xb1: {  	_ =	task.clear_ibuf [dreg:s6], $0x5FFFF;
	_ =	strace $0x90000046  }
0xb2: {  	s29 =	simm.s32 $0x9;
	_ =	strace $0x80000048  }
0xb3: {  	_ =	swait.ge [sflag:s29], $0x1  }
0xb4: {  	[sflag:s29] =	ssyncadd.s32 $0xFFFFFFFF  }
0xb5: {  	_ =	strace $0x90000048  }
0xb6: {  	_ =	sfence  }
0xb7: {  	s30 =	sld [smem:$0x0];
	_ =	sdelay $0x2  }
0xb8: {  	s31 =	sshll.u32 s1, $0xD;
	s1 =	sshrl.u32 s1, $0x2  }
0xb9: {  	s3 =	sand.u32 $0x4000, s31;
	s1 =	sadd.s32 s1, s30  }
0xba: {  	s0 =	sor.u32 s3, s0;
	s1 =	sshll.u32 s1, $0x11  }
0xbb: {  	s0 =	sor.u32 s1, s0  }
0xbc: {  	s0 =	sadd.s32 $0x8F2B, s0  }
0xbd: {  	[sflag:s0] =	ssyncadd.remote.s32 $0x1  }
0xbe: {  	_ =	sfence.sel $0xFFFF  }
0xbf: {  	[dreg:$0x0] =	wrdreg $0xFFFFFFFF;
	(pc) =	sbr.abs _section_cstart, $3  }
0xc0: {  	[dreg:$0x1] =	wrdreg $0xFFFFFFFF  }
0xc1: {  	_ =	task.clear_ibuf [dreg:s6], $0x2FFFF;
	_ =	strace $0x9FFFFFFF  }
0xc2: {  	(tm) =	ssettm $0x7FFFFFFF  }
0xc3: {  	_ =	shalt  }
tec
execute0_lowered:
.L_overlay_start_1:
0x0: {  	(tag) =	ssettag $0x1  }
0x1: {  	s5 =	rddreg [dreg:$0x0]  }
0x2: {  	s0 =	srdreg.scid;
	s2 =	rddreg [dreg:$0x1]  }
0x3: {  	s3 =	simm.s32 $0x0;
	s13 =	simm.s32 $0x1;
	s14 =	simm.s32 $0x400  }
0x4: {  	s15 =	simm.s32 $0x2800;
	s16 =	simm.s32 $0x800;
	s17 =	simm.s32 $0xC00  }
0x5: {  	s18 =	simm.s32 $0x1000;
	s19 =	simm.s32 $0x1400;
	s20 =	simm.s32 $0x1800  }
0x6: {  	s21 =	simm.s32 $0x1C00;
	s4 =	sand.u32 $0x1, s0;
	s0 =	stileid.u32  }
0x7: {  	s22 =	simm.s32 $0x2000;
	s23 =	simm.s32 $0x2400;
	s7 =	smul.u32 $0x2800, s0  }
0x8: {  	s24 =	simm.s32 $0x0;
	s1 =	sshll.u32 s4, $0x4;
	s8 =	smul.u32 $0x28000, s4  }
0x9: {  	s9 =	smul.u32 $0xA000, s0;
	s4 =	ssub.s32 $0x2, s4;
	s1 =	sor.u32 s0, s1  }
0xa: {  	[smem:$0x7FF] =	sst s3;
	s30 =	sshrl.u32 s4, $0x1;
	s6 =	smul.u32 $0x500, s1  }
0xb: {  	s1 =	rddreg [dreg:$0x2];
	_ =	strace $0x80000047;
	s29 =	sadd.s32 s7, s8  }
0xc: {  	s9 =	sshrl.u32 s9, $0x2;
	s12 =	ssub.s32 s4, s30;
	s4 =	sadd.s32 s7, s2  }
0xd: {  	s31 =	sadd.s32 s9, s2;
	s10 =	sadd.s32 s6, s5;
	s6 =	sshrl.u32 s29, $0x3  }
0xe: {  	s7 =	sadd.s32 $0x1800, s31;
	s8 =	sadd.s32 $0x2000, s31;
	s11 =	sadd.s32 s6, s5  }
0xf: {  	s5 =	sadd.s32 $0x800, s31;
	s6 =	sadd.s32 $0x1000, s31;
	s9 =	sadd.s32 $0x1200, s10  }
0x10: {  	v0 =	vimm.f32 $0.0e+00;
	v1 =	vimm.f32 $1.000000000e+00;
	s10 =	sadd.s32 $0x15200, s11;
	s11 =	smax.u32 s12, $0x1;
	s12 =	simm.s32 $0x6800  }
.LBB2_1:
0x11: {  	s25 =	simm.s32 $0x0  }
.LBB2_2:
0x12: {  	p0 =	sne.s32 s25, $0x1FC0  }
.Ltmp0:
0x13: {  	_ = 	snop;
	(pc) =	sbr.rel @p0 .LBB2_2-.Ltmp0, $3  }
0x14: {  	_ =	sdelay $0x1  }
0x15: {  	s26 =	sshra.s32 s25, $0x2  }
0x16: {  	s25 =	sadd.s32 $0x40, s25;
	[tilespmem:s26+$0x6800] =	vst v0  }
0x17: {  	s25 =	simm.s32 $0x40;
	s26 =	simm.s32 $0x0  }
.LBB2_4:
0x18: {  	p0 =	sne.s32 s25, $0xFFC0;
	[tilespmem:s26+$0x2800] =	vst v1;
	s26 =	smov.u32 s25;
	s25 =	sadd.s32 $0x40, s25  }
.Ltmp1:
0x19: {  	(pc) =	sbr.rel @p0 .LBB2_4-.Ltmp1, $2  }
0x1a: {  	_ =	sdelay $0x2  }
0x1b: {  	s26 =	sshra.s32 s26, $0x2  }
0x1c: {  	[tilespmem:s26+$0x2800] =	vst v1  }
0x1d: {  	[spmem:s4] =	stream.linear.scatter [tilespmem:s12], [sflag:$0x1], $0x800, $0x38;
	[tilespmem:$0x9800] =	vst v63  }
0x1e: {  	_ =	swait.ge [sflag:s13], $0x800  }
0x1f: {  	[sflag:s13] =	ssyncset.done $0x0  }
0x20: {  	[sflag:s13] =	ssyncadd.s32 $0xFFFFF800  }
0x21: {  	[spmem:s5] =	stream.linear.scatter [tilespmem:s12], [sflag:$0x1], $0x800, $0x38;
	[tilespmem:$0x9800] =	vst v63  }
0x22: {  	_ =	swait.ge [sflag:s13], $0x800  }
0x23: {  	[sflag:s13] =	ssyncset.done $0x0  }
0x24: {  	[sflag:s13] =	ssyncadd.s32 $0xFFFFF800  }
0x25: {  	[spmem:s6] =	stream.linear.scatter [tilespmem:s12], [sflag:$0x1], $0x800, $0x38;
	[tilespmem:$0x9800] =	vst v63  }
0x26: {  	_ =	swait.ge [sflag:s13], $0x800  }
0x27: {  	[sflag:s13] =	ssyncset.done $0x0  }
0x28: {  	[sflag:s13] =	ssyncadd.s32 $0xFFFFF800  }
0x29: {  	[spmem:s7] =	stream.linear.scatter [tilespmem:s12], [sflag:$0x1], $0x800, $0x38;
	[tilespmem:$0x9800] =	vst v63  }
0x2a: {  	_ =	swait.ge [sflag:s13], $0x800  }
0x2b: {  	[sflag:s13] =	ssyncset.done $0x0  }
0x2c: {  	[sflag:s13] =	ssyncadd.s32 $0xFFFFF800  }
0x2d: {  	[spmem:s8] =	stream.linear.scatter [tilespmem:s12], [sflag:$0x1], $0x800, $0x38;
	[tilespmem:$0x9800] =	vst v63  }
0x2e: {  	_ =	swait.ge [sflag:s13], $0x800  }
0x2f: {  	[sflag:s13] =	ssyncset.done $0x0  }
0x30: {  	[sflag:s13] =	ssyncadd.s32 $0xFFFFF800  }
0x31: {  	[bflag:$0x0] =	sbarrier.arrive $0xFFFF  }
0x32: {  	[tilespmem:s3], [sflag:$0x1] =	stream.linear.gather [hbm4b:s9+s3], $0x2800, $0x38;
	[tilespmem:$0x9800] =	vst v63  }
0x33: {  	_ =	swait.ge [sflag:s13], $0x2800  }
0x34: {  	[sflag:s13] =	ssyncset.done $0x0  }
0x35: {  	[sflag:s13] =	ssyncadd.s32 $0xFFFFD800  }
0x36: {  	[spmem:s2] =	stream.indirect.scatter.add.f32 [tilespmem:s15], [sflag:$0x1], $0x10, s3, s14, $0xb8;
	[tilespmem:$0x9800] =	vst v63  }
0x37: {  	_ =	swait.ge [sflag:s13], $0x4000  }
0x38: {  	[sflag:s13] =	ssyncset.done $0x0  }
0x39: {  	[sflag:s13] =	ssyncadd.s32 $0xFFFFC000  }
0x3a: {  	[spmem:s2] =	stream.indirect.scatter.add.f32 [tilespmem:s15], [sflag:$0x1], $0x10, s14, s14, $0xb8;
	[tilespmem:$0x9800] =	vst v63  }
0x3b: {  	_ =	swait.ge [sflag:s13], $0x4000  }
0x3c: {  	[sflag:s13] =	ssyncset.done $0x0  }
0x3d: {  	[sflag:s13] =	ssyncadd.s32 $0xFFFFC000  }
0x3e: {  	[spmem:s2] =	stream.indirect.scatter.add.f32 [tilespmem:s15], [sflag:$0x1], $0x10, s16, s14, $0xb8;
	[tilespmem:$0x9800] =	vst v63  }
0x3f: {  	_ =	swait.ge [sflag:s13], $0x4000  }
0x40: {  	[sflag:s13] =	ssyncset.done $0x0  }
0x41: {  	[sflag:s13] =	ssyncadd.s32 $0xFFFFC000  }
0x42: {  	[spmem:s2] =	stream.indirect.scatter.add.f32 [tilespmem:s15], [sflag:$0x1], $0x10, s17, s14, $0xb8;
	[tilespmem:$0x9800] =	vst v63  }
0x43: {  	_ =	swait.ge [sflag:s13], $0x4000  }
0x44: {  	[sflag:s13] =	ssyncset.done $0x0  }
0x45: {  	[sflag:s13] =	ssyncadd.s32 $0xFFFFC000  }
0x46: {  	[spmem:s2] =	stream.indirect.scatter.add.f32 [tilespmem:s15], [sflag:$0x1], $0x10, s18, s14, $0xb8;
	[tilespmem:$0x9800] =	vst v63  }
0x47: {  	_ =	swait.ge [sflag:s13], $0x4000  }
0x48: {  	[sflag:s13] =	ssyncset.done $0x0  }
0x49: {  	[sflag:s13] =	ssyncadd.s32 $0xFFFFC000  }
0x4a: {  	[spmem:s2] =	stream.indirect.scatter.add.f32 [tilespmem:s15], [sflag:$0x1], $0x10, s19, s14, $0xb8;
	[tilespmem:$0x9800] =	vst v63  }
0x4b: {  	_ =	swait.ge [sflag:s13], $0x4000  }
0x4c: {  	[sflag:s13] =	ssyncset.done $0x0  }
0x4d: {  	[sflag:s13] =	ssyncadd.s32 $0xFFFFC000  }
0x4e: {  	[spmem:s2] =	stream.indirect.scatter.add.f32 [tilespmem:s15], [sflag:$0x1], $0x10, s20, s14, $0xb8;
	[tilespmem:$0x9800] =	vst v63  }
0x4f: {  	_ =	swait.ge [sflag:s13], $0x4000  }
0x50: {  	[sflag:s13] =	ssyncset.done $0x0  }
0x51: {  	[sflag:s13] =	ssyncadd.s32 $0xFFFFC000  }
0x52: {  	[spmem:s2] =	stream.indirect.scatter.add.f32 [tilespmem:s15], [sflag:$0x1], $0x10, s21, s14, $0xb8;
	[tilespmem:$0x9800] =	vst v63  }
0x53: {  	_ =	swait.ge [sflag:s13], $0x4000  }
0x54: {  	[sflag:s13] =	ssyncset.done $0x0  }
0x55: {  	[sflag:s13] =	ssyncadd.s32 $0xFFFFC000  }
0x56: {  	[spmem:s2] =	stream.indirect.scatter.add.f32 [tilespmem:s15], [sflag:$0x1], $0x10, s22, s14, $0xb8;
	[tilespmem:$0x9800] =	vst v63  }
0x57: {  	_ =	swait.ge [sflag:s13], $0x4000  }
0x58: {  	[sflag:s13] =	ssyncset.done $0x0  }
0x59: {  	[sflag:s13] =	ssyncadd.s32 $0xFFFFC000  }
0x5a: {  	[spmem:s2] =	stream.indirect.scatter.add.f32 [tilespmem:s15], [sflag:$0x1], $0x10, s23, s14, $0xb8;
	[tilespmem:$0x9800] =	vst v63  }
0x5b: {  	_ =	swait.ge [sflag:s13], $0x4000  }
0x5c: {  	s25 =	sshll.u32 s0, $0x6;
	s24 =	sadd.s32 $0x1, s24;
	[sflag:s13] =	ssyncset.done $0x0  }
0x5d: {  	s31 =	sshrl.u32 s4, $0x3;
	p0 =	sne.s32 s24, s11;
	[sflag:s13] =	ssyncadd.s32 $0xFFFFC000  }
.Ltmp2:
0x5e: {  	s25 =	sor.u32 $0x1C01, s25;
	[bflag:$0x0] =	sbarrier.arrive $0xFFFF;
	(pc) =	sbr.rel @p0 .LBB2_1-.Ltmp2, $4  }
0x5f: {  	[hbm:s10], [sflag:s25] =	dma.local [spmem:s31], $0x500  }
0x60: {  	_ =	swait.ge [sflag:s13], $0x500  }
0x61: {  	[sflag:s13] =	ssyncset.done $0x0  }
0x62: {  	[sflag:s13] =	ssyncadd.s32 $0xFFFFFB00  }
0x63: {  	_ =	sfence.sel $0x180000  }
0x64: {  	[bflag:$0x0] =	sbarrier.arrive $0xFFFF  }
0x65: {  	p0 =	sne.s32 s0, $0x0;
	_ =	strace $0x90000047  }
0x66: {  	s0 =	sadd.s32 @!p0 $0x100000, s1;
	[bflag:$0x2] =	sbarrier.arrive $0xFFFF  }
0x67: {  	[sflag:s0] =	ssyncadd.tile.s32 @!p0 $0x1;
	_ =	shalt  }
.Lfunc_end2:
_tile_overlayer_lowered:
.L_overlay_start_2:
0x68: {  	(tag) =	ssettag $0x2  }
0x69: {  	s0 =	rddreg [dreg:$0x0];
	s2 =	stileid.u32  }
0x6a: {  	s1 =	rddreg [dreg:$0x1];
	p0 =	sne.s32 s2, $0x0  }
0x6b: {  	s3 =	rddreg [dreg:$0x2];
	[bflag:$0x3] =	sbarrier.arrive $0xFFFF;
	s2 =	simm.s32 @!p0 $0x1C01  }
0x6c: {  	[timem:s3], [sflag:s2] =	dma.local @!p0 [hbm:s0], s1  }
0x6d: {  	s0 =	simm.s32 @!p0 $0x1  }
0x6e: {  	_ =	swait.ge @!p0 [sflag:s0], s1  }
0x6f: {  	s1 =	ssub.s32 @!p0 $0x0, s1;
	[sflag:s0] =	ssyncset.done @!p0 $0x0  }
0x70: {  	[sflag:s0] =	ssyncadd.s32 @!p0 s1  }
0x71: {  	[bflag:$0x3] =	sbarrier.arrive $0xFFFF  }
0x72: {  	_ =	shalt  }

</sc_bundles>
